<compile_context>
chip_gen: v7x
topology: tpu7x:2x2x1
jax: 0.10.2.dev20260603
libtpu: 0.0.44.dev20260713+nightly
codegen_flags: <defaults>
</compile_context>

<pallas_src>
import functools

import jax
import jax.numpy as jnp
from jax import lax
from jax.experimental import pallas as pl
from jax.experimental.pallas import tpu as pltpu
from jax.experimental.pallas import tpu_sc as plsc

BATCH = 16384
NUM_RATINGS = 5
LANES = 16
NUM_CORES = 1
NUM_SUBCORES = 16
NUM_WORKERS = NUM_CORES * NUM_SUBCORES
B_PER_W = BATCH // NUM_WORKERS
VECS_PER_W = B_PER_W // LANES
N_CHUNKS = 4


def _make_sc_kernel():
    mesh = plsc.VectorSubcoreMesh(
        core_axis_name="c", subcore_axis_name="s", num_cores=NUM_CORES, num_subcores=NUM_SUBCORES
    )

    @functools.partial(
        pl.kernel,
        mesh=mesh,
        out_type=jax.ShapeDtypeStruct((BATCH,), jnp.float32),
        compiler_params=pltpu.CompilerParams(needs_layout_passes=False),
        scratch_types=[
            pltpu.VMEM((LANES,), jnp.float32),
            pltpu.VMEM((B_PER_W,), jnp.int32),
            pltpu.VMEM((B_PER_W,), jnp.float32),
            pltpu.SemaphoreType.DMA,
            pltpu.SemaphoreType.DMA,
            pltpu.SemaphoreType.DMA,
        ],
    )
    def sc_gather(table_hbm, idx_hbm, out_hbm, tab_v, idx_v, out_v,
                  sem_tab, sem_idx, sem_out):
        wid = lax.axis_index("s") * NUM_CORES + lax.axis_index("c")
        base = wid * B_PER_W
        tab_copy = pltpu.async_copy(
            table_hbm, tab_v.at[pl.ds(0, NUM_RATINGS)], sem_tab)
        idx_copy = pltpu.async_copy(
            idx_hbm.at[pl.ds(base, B_PER_W)], idx_v, sem_idx)
        tab_copy.wait()
        idx_copy.wait()
        out_copies = []
        chunk_vecs = VECS_PER_W // N_CHUNKS
        chunk_elems = chunk_vecs * LANES
        for c in range(N_CHUNKS):
            for i in range(c * chunk_vecs, (c + 1) * chunk_vecs):
                idx = idx_v[pl.ds(i * LANES, LANES)]
                out_v[pl.ds(i * LANES, LANES)] = plsc.load_gather(
                    tab_v, [idx])
            out_copies.append(pltpu.async_copy(
                out_v.at[pl.ds(c * chunk_elems, chunk_elems)],
                out_hbm.at[pl.ds(base + c * chunk_elems, chunk_elems)],
                sem_out))
        for cp in out_copies:
            cp.wait()

    return sc_gather


_sc_gather = _make_sc_kernel()


def kernel(batch, y_dict):
    return _sc_gather(y_dict, batch.astype(jnp.int32))

# --- scband reference (transcript-rebuilt; emitter-appended) ---
"""Pipeline reference for scband-naive-bayes-47880295416420 (READ-ONLY COPY).

The authoritative reference and input builder live on the scoring server;
editing this copy changes nothing except your own understanding.
"""

import jax, jax.numpy as jnp
import numpy as np

BATCH = 16384
NUM_RATINGS = 5

def setup_inputs(seed: int = 0) -> dict:
    key = jax.random.key(seed)
    k_batch, k_tab = jax.random.split(key)
    # batch of rating values observed for interactions (integer rating ids 0..4)
    batch = jax.random.randint(k_batch, (BATCH,), 0, NUM_RATINGS)
    # y_dict: propensity per rating value, as fit() would compute:
    # y_dict[y] = P(y|o=1) * P(o=1) / P(y), all positive scalars per rating level.
    P_y_given_o = jax.random.uniform(k_tab, (NUM_RATINGS,), dtype=jnp.float32, minval=0.05, maxval=0.4)
    P_y_given_o = P_y_given_o / jnp.sum(P_y_given_o)
    P_y = jax.random.uniform(jax.random.fold_in(k_tab, 1), (NUM_RATINGS,), dtype=jnp.float32, minval=0.05, maxval=0.4)
    P_y = P_y / jnp.sum(P_y)
    P_o = jnp.float32(0.05)
    y_dict = P_y_given_o * P_o / P_y
    return {"batch": batch, "y_dict": y_dict}

def reference(batch, y_dict):
    # Faithful translation of forward: for each element of batch, look up its
    # propensity in y_dict, i.e. p[i] = y_dict[batch[i]].
    # (The torch loop `for i, y in enumerate(batch): p[i] = y_dict[y]` is exactly
    # an embedding-style gather over the rating-value axis.)
    p = jnp.take(y_dict, batch, axis=0)
    return p

if __name__ == "__main__":
    import jax
    _d = setup_inputs()
    print(jax.jit(kernel)(*tuple(_d.values())))

</pallas_src>

<mosaic_0001>
#map = affine_map<(d0, d1) -> (0)>
module attributes {stable_mosaic.version = 14 : i64} {
  func.func @sc_gather(%arg0: i32, %arg1: i32, %arg2: memref<5xf32, #tpu.memory_space<hbm>>, %arg3: memref<16384xi32, #tpu.memory_space<hbm>>, %arg4: memref<16384xf32, #tpu.memory_space<hbm>>, %arg5: memref<16xf32, #tpu.memory_space<vmem>>, %arg6: memref<1024xi32, #tpu.memory_space<vmem>>, %arg7: memref<1024xf32, #tpu.memory_space<vmem>>, %arg8: memref<!tpu.dma_semaphore, #tpu.memory_space<semaphore_mem>>, %arg9: memref<!tpu.dma_semaphore, #tpu.memory_space<semaphore_mem>>, %arg10: memref<!tpu.dma_semaphore, #tpu.memory_space<semaphore_mem>>) attributes {dimension_semantics = [#tpu.dimension_semantics<core_parallel>, #tpu.dimension_semantics<subcore_parallel>], iteration_bounds = array<i64: 1, 16>, scalar_prefetch = 0 : i64, scratch_operands = 6 : i64, tpu.core_type = #tpu.core_type<sc_vector_subcore>, window_params = [{transform_indices = #map}, {transform_indices = #map}, {transform_indices = #map}]} {
    %mul3A = arith.constant 1 : i32
    %mul3A_0 = arith.muli %arg1, %mul3A : i32
    %add3A = arith.addi %mul3A_0, %arg0 : i32
    %mul3A_1 = arith.constant 1024 : i32
    %mul3A_2 = arith.muli %add3A, %mul3A_1 : i32
    %dma_start3A = arith.constant 0 : i32
    %dma_start3A_3 = tpu.memref_slice %arg5[%dma_start3A] : memref<16xf32, #tpu.memory_space<vmem>> -> memref<5xf32, #tpu.memory_space<vmem>>
    %dma_start3A_4 = arith.constant 0 : i32
    %dma_start3A_5 = tpu.memref_slice %arg5[%dma_start3A_4] : memref<16xf32, #tpu.memory_space<vmem>> -> memref<5xf32, #tpu.memory_space<vmem>>
    tpu.enqueue_dma source(%arg2 : memref<5xf32, #tpu.memory_space<hbm>>) target(%dma_start3A_5 : memref<5xf32, #tpu.memory_space<vmem>>) target_semaphore(%arg8 : memref<!tpu.dma_semaphore, #tpu.memory_space<semaphore_mem>>)
    %dma_start3A_6 = tpu.memref_slice %arg3[%mul3A_2] : memref<16384xi32, #tpu.memory_space<hbm>> -> memref<1024xi32, #tpu.memory_space<hbm>>
    %dma_start3A_7 = tpu.memref_slice %arg3[%mul3A_2] : memref<16384xi32, #tpu.memory_space<hbm>> -> memref<1024xi32, #tpu.memory_space<hbm>>
    tpu.enqueue_dma source(%dma_start3A_7 : memref<1024xi32, #tpu.memory_space<hbm>>) target(%arg6 : memref<1024xi32, #tpu.memory_space<vmem>>) target_semaphore(%arg9 : memref<!tpu.dma_semaphore, #tpu.memory_space<semaphore_mem>>)
    %dma_wait3A = arith.constant 0 : i32
    %dma_wait3A_8 = tpu.memref_slice %arg5[%dma_wait3A] : memref<16xf32, #tpu.memory_space<vmem>> -> memref<5xf32, #tpu.memory_space<vmem>>
    %dma_wait3A_9 = arith.constant 0 : i32
    %dma_wait3A_10 = tpu.memref_slice %arg5[%dma_wait3A_9] : memref<16xf32, #tpu.memory_space<vmem>> -> memref<5xf32, #tpu.memory_space<vmem>>
    tpu.wait_dma2 semaphore(%arg8 : memref<!tpu.dma_semaphore, #tpu.memory_space<semaphore_mem>>) src(%arg2 : memref<5xf32, #tpu.memory_space<hbm>>) dst(%dma_wait3A_10 : memref<5xf32, #tpu.memory_space<vmem>>)
    %dma_wait3A_11 = tpu.memref_slice %arg3[%mul3A_2] : memref<16384xi32, #tpu.memory_space<hbm>> -> memref<1024xi32, #tpu.memory_space<hbm>>
    %dma_wait3A_12 = tpu.memref_slice %arg3[%mul3A_2] : memref<16384xi32, #tpu.memory_space<hbm>> -> memref<1024xi32, #tpu.memory_space<hbm>>
    tpu.wait_dma2 semaphore(%arg9 : memref<!tpu.dma_semaphore, #tpu.memory_space<semaphore_mem>>) src(%dma_wait3A_12 : memref<1024xi32, #tpu.memory_space<hbm>>) dst(%arg6 : memref<1024xi32, #tpu.memory_space<vmem>>)
    %get3A = arith.constant 0 : index
    %get3A_13 = tpu.vector_load %arg6[%get3A] {strides = array<i32>} : memref<1024xi32, #tpu.memory_space<vmem>>, vector<16xi32>,
    %gather3A = tpu.vector_load_idx %arg5[%get3A_13] : memref<16xf32, #tpu.memory_space<vmem>>[vector<16xi32>], vector<16xf32>,
    %swap3A = arith.constant 0 : index
    %swap3A_14 = tpu.vector_load %arg7[%swap3A] {strides = array<i32>} : memref<1024xf32, #tpu.memory_space<vmem>>, vector<16xf32>,
    tpu.vector_store %arg7[%swap3A], %gather3A {strides = array<i32>} : memref<1024xf32, #tpu.memory_space<vmem>>, vector<16xf32>,
    %get3A_15 = arith.constant 16 : index
    %get3A_16 = tpu.vector_load %arg6[%get3A_15] {strides = array<i32>} : memref<1024xi32, #tpu.memory_space<vmem>>, vector<16xi32>,
    %gather3A_17 = tpu.vector_load_idx %arg5[%get3A_16] : memref<16xf32, #tpu.memory_space<vmem>>[vector<16xi32>], vector<16xf32>,
    %swap3A_18 = arith.constant 16 : index
    %swap3A_19 = tpu.vector_load %arg7[%swap3A_18] {strides = array<i32>} : memref<1024xf32, #tpu.memory_space<vmem>>, vector<16xf32>,
    tpu.vector_store %arg7[%swap3A_18], %gather3A_17 {strides = array<i32>} : memref<1024xf32, #tpu.memory_space<vmem>>, vector<16xf32>,
    %get3A_20 = arith.constant 32 : index
    %get3A_21 = tpu.vector_load %arg6[%get3A_20] {strides = array<i32>} : memref<1024xi32, #tpu.memory_space<vmem>>, vector<16xi32>,
    %gather3A_22 = tpu.vector_load_idx %arg5[%get3A_21] : memref<16xf32, #tpu.memory_space<vmem>>[vector<16xi32>], vector<16xf32>,
    %swap3A_23 = arith.constant 32 : index
    %swap3A_24 = tpu.vector_load %arg7[%swap3A_23] {strides = array<i32>} : memref<1024xf32, #tpu.memory_space<vmem>>, vector<16xf32>,
    tpu.vector_store %arg7[%swap3A_23], %gather3A_22 {strides = array<i32>} : memref<1024xf32, #tpu.memory_space<vmem>>, vector<16xf32>,
    %get3A_25 = arith.constant 48 : index
    %get3A_26 = tpu.vector_load %arg6[%get3A_25] {strides = array<i32>} : memref<1024xi32, #tpu.memory_space<vmem>>, vector<16xi32>,
    %gather3A_27 = tpu.vector_load_idx %arg5[%get3A_26] : memref<16xf32, #tpu.memory_space<vmem>>[vector<16xi32>], vector<16xf32>,
    %swap3A_28 = arith.constant 48 : index
    %swap3A_29 = tpu.vector_load %arg7[%swap3A_28] {strides = array<i32>} : memref<1024xf32, #tpu.memory_space<vmem>>, vector<16xf32>,
    tpu.vector_store %arg7[%swap3A_28], %gather3A_27 {strides = array<i32>} : memref<1024xf32, #tpu.memory_space<vmem>>, vector<16xf32>,
    %get3A_30 = arith.constant 64 : index
    %get3A_31 = tpu.vector_load %arg6[%get3A_30] {strides = array<i32>} : memref<1024xi32, #tpu.memory_space<vmem>>, vector<16xi32>,
    %gather3A_32 = tpu.vector_load_idx %arg5[%get3A_31] : memref<16xf32, #tpu.memory_space<vmem>>[vector<16xi32>], vector<16xf32>,
    %swap3A_33 = arith.constant 64 : index
    %swap3A_34 = tpu.vector_load %arg7[%swap3A_33] {strides = array<i32>} : memref<1024xf32, #tpu.memory_space<vmem>>, vector<16xf32>,
    tpu.vector_store %arg7[%swap3A_33], %gather3A_32 {strides = array<i32>} : memref<1024xf32, #tpu.memory_space<vmem>>, vector<16xf32>,
    %get3A_35 = arith.constant 80 : index
    %get3A_36 = tpu.vector_load %arg6[%get3A_35] {strides = array<i32>} : memref<1024xi32, #tpu.memory_space<vmem>>, vector<16xi32>,
    %gather3A_37 = tpu.vector_load_idx %arg5[%get3A_36] : memref<16xf32, #tpu.memory_space<vmem>>[vector<16xi32>], vector<16xf32>,
    %swap3A_38 = arith.constant 80 : index
    %swap3A_39 = tpu.vector_load %arg7[%swap3A_38] {strides = array<i32>} : memref<1024xf32, #tpu.memory_space<vmem>>, vector<16xf32>,
    tpu.vector_store %arg7[%swap3A_38], %gather3A_37 {strides = array<i32>} : memref<1024xf32, #tpu.memory_space<vmem>>, vector<16xf32>,
    %get3A_40 = arith.constant 96 : index
    %get3A_41 = tpu.vector_load %arg6[%get3A_40] {strides = array<i32>} : memref<1024xi32, #tpu.memory_space<vmem>>, vector<16xi32>,
    %gather3A_42 = tpu.vector_load_idx %arg5[%get3A_41] : memref<16xf32, #tpu.memory_space<vmem>>[vector<16xi32>], vector<16xf32>,
    %swap3A_43 = arith.constant 96 : index
    %swap3A_44 = tpu.vector_load %arg7[%swap3A_43] {strides = array<i32>} : memref<1024xf32, #tpu.memory_space<vmem>>, vector<16xf32>,
    tpu.vector_store %arg7[%swap3A_43], %gather3A_42 {strides = array<i32>} : memref<1024xf32, #tpu.memory_space<vmem>>, vector<16xf32>,
    %get3A_45 = arith.constant 112 : index
    %get3A_46 = tpu.vector_load %arg6[%get3A_45] {strides = array<i32>} : memref<1024xi32, #tpu.memory_space<vmem>>, vector<16xi32>,
    %gather3A_47 = tpu.vector_load_idx %arg5[%get3A_46] : memref<16xf32, #tpu.memory_space<vmem>>[vector<16xi32>], vector<16xf32>,
    %swap3A_48 = arith.constant 112 : index
    %swap3A_49 = tpu.vector_load %arg7[%swap3A_48] {strides = array<i32>} : memref<1024xf32, #tpu.memory_space<vmem>>, vector<16xf32>,
    tpu.vector_store %arg7[%swap3A_48], %gather3A_47 {strides = array<i32>} : memref<1024xf32, #tpu.memory_space<vmem>>, vector<16xf32>,
    %get3A_50 = arith.constant 128 : index
    %get3A_51 = tpu.vector_load %arg6[%get3A_50] {strides = array<i32>} : memref<1024xi32, #tpu.memory_space<vmem>>, vector<16xi32>,
    %gather3A_52 = tpu.vector_load_idx %arg5[%get3A_51] : memref<16xf32, #tpu.memory_space<vmem>>[vector<16xi32>], vector<16xf32>,
    %swap3A_53 = arith.constant 128 : index
    %swap3A_54 = tpu.vector_load %arg7[%swap3A_53] {strides = array<i32>} : memref<1024xf32, #tpu.memory_space<vmem>>, vector<16xf32>,
    tpu.vector_store %arg7[%swap3A_53], %gather3A_52 {strides = array<i32>} : memref<1024xf32, #tpu.memory_space<vmem>>, vector<16xf32>,
    %get3A_55 = arith.constant 144 : index
    %get3A_56 = tpu.vector_load %arg6[%get3A_55] {strides = array<i32>} : memref<1024xi32, #tpu.memory_space<vmem>>, vector<16xi32>,
    %gather3A_57 = tpu.vector_load_idx %arg5[%get3A_56] : memref<16xf32, #tpu.memory_space<vmem>>[vector<16xi32>], vector<16xf32>,
    %swap3A_58 = arith.constant 144 : index
    %swap3A_59 = tpu.vector_load %arg7[%swap3A_58] {strides = array<i32>} : memref<1024xf32, #tpu.memory_space<vmem>>, vector<16xf32>,
    tpu.vector_store %arg7[%swap3A_58], %gather3A_57 {strides = array<i32>} : memref<1024xf32, #tpu.memory_space<vmem>>, vector<16xf32>,
    %get3A_60 = arith.constant 160 : index
    %get3A_61 = tpu.vector_load %arg6[%get3A_60] {strides = array<i32>} : memref<1024xi32, #tpu.memory_space<vmem>>, vector<16xi32>,
    %gather3A_62 = tpu.vector_load_idx %arg5[%get3A_61] : memref<16xf32, #tpu.memory_space<vmem>>[vector<16xi32>], vector<16xf32>,
    %swap3A_63 = arith.constant 160 : index
    %swap3A_64 = tpu.vector_load %arg7[%swap3A_63] {strides = array<i32>} : memref<1024xf32, #tpu.memory_space<vmem>>, vector<16xf32>,
    tpu.vector_store %arg7[%swap3A_63], %gather3A_62 {strides = array<i32>} : memref<1024xf32, #tpu.memory_space<vmem>>, vector<16xf32>,
    %get3A_65 = arith.constant 176 : index
    %get3A_66 = tpu.vector_load %arg6[%get3A_65] {strides = array<i32>} : memref<1024xi32, #tpu.memory_space<vmem>>, vector<16xi32>,
    %gather3A_67 = tpu.vector_load_idx %arg5[%get3A_66] : memref<16xf32, #tpu.memory_space<vmem>>[vector<16xi32>], vector<16xf32>,
    %swap3A_68 = arith.constant 176 : index
    %swap3A_69 = tpu.vector_load %arg7[%swap3A_68] {strides = array<i32>} : memref<1024xf32, #tpu.memory_space<vmem>>, vector<16xf32>,
    tpu.vector_store %arg7[%swap3A_68], %gather3A_67 {strides = array<i32>} : memref<1024xf32, #tpu.memory_space<vmem>>, vector<16xf32>,
    %get3A_70 = arith.constant 192 : index
    %get3A_71 = tpu.vector_load %arg6[%get3A_70] {strides = array<i32>} : memref<1024xi32, #tpu.memory_space<vmem>>, vector<16xi32>,
    %gather3A_72 = tpu.vector_load_idx %arg5[%get3A_71] : memref<16xf32, #tpu.memory_space<vmem>>[vector<16xi32>], vector<16xf32>,
    %swap3A_73 = arith.constant 192 : index
    %swap3A_74 = tpu.vector_load %arg7[%swap3A_73] {strides = array<i32>} : memref<1024xf32, #tpu.memory_space<vmem>>, vector<16xf32>,
    tpu.vector_store %arg7[%swap3A_73], %gather3A_72 {strides = array<i32>} : memref<1024xf32, #tpu.memory_space<vmem>>, vector<16xf32>,
    %get3A_75 = arith.constant 208 : index
    %get3A_76 = tpu.vector_load %arg6[%get3A_75] {strides = array<i32>} : memref<1024xi32, #tpu.memory_space<vmem>>, vector<16xi32>,
    %gather3A_77 = tpu.vector_load_idx %arg5[%get3A_76] : memref<16xf32, #tpu.memory_space<vmem>>[vector<16xi32>], vector<16xf32>,
    %swap3A_78 = arith.constant 208 : index
    %swap3A_79 = tpu.vector_load %arg7[%swap3A_78] {strides = array<i32>} : memref<1024xf32, #tpu.memory_space<vmem>>, vector<16xf32>,
    tpu.vector_store %arg7[%swap3A_78], %gather3A_77 {strides = array<i32>} : memref<1024xf32, #tpu.memory_space<vmem>>, vector<16xf32>,
    %get3A_80 = arith.constant 224 : index
    %get3A_81 = tpu.vector_load %arg6[%get3A_80] {strides = array<i32>} : memref<1024xi32, #tpu.memory_space<vmem>>, vector<16xi32>,
    %gather3A_82 = tpu.vector_load_idx %arg5[%get3A_81] : memref<16xf32, #tpu.memory_space<vmem>>[vector<16xi32>], vector<16xf32>,
    %swap3A_83 = arith.constant 224 : index
    %swap3A_84 = tpu.vector_load %arg7[%swap3A_83] {strides = array<i32>} : memref<1024xf32, #tpu.memory_space<vmem>>, vector<16xf32>,
    tpu.vector_store %arg7[%swap3A_83], %gather3A_82 {strides = array<i32>} : memref<1024xf32, #tpu.memory_space<vmem>>, vector<16xf32>,
    %get3A_85 = arith.constant 240 : index
    %get3A_86 = tpu.vector_load %arg6[%get3A_85] {strides = array<i32>} : memref<1024xi32, #tpu.memory_space<vmem>>, vector<16xi32>,
    %gather3A_87 = tpu.vector_load_idx %arg5[%get3A_86] : memref<16xf32, #tpu.memory_space<vmem>>[vector<16xi32>], vector<16xf32>,
    %swap3A_88 = arith.constant 240 : index
    %swap3A_89 = tpu.vector_load %arg7[%swap3A_88] {strides = array<i32>} : memref<1024xf32, #tpu.memory_space<vmem>>, vector<16xf32>,
    tpu.vector_store %arg7[%swap3A_88], %gather3A_87 {strides = array<i32>} : memref<1024xf32, #tpu.memory_space<vmem>>, vector<16xf32>,
    %add3A_90 = arith.constant 0 : i32
    %add3A_91 = arith.addi %mul3A_2, %add3A_90 : i32
    %dma_start3A_92 = arith.constant 0 : i32
    %dma_start3A_93 = tpu.memref_slice %arg7[%dma_start3A_92] : memref<1024xf32, #tpu.memory_space<vmem>> -> memref<256xf32, #tpu.memory_space<vmem>>
    %dma_start3A_94 = tpu.memref_slice %arg4[%add3A_91] : memref<16384xf32, #tpu.memory_space<hbm>> -> memref<256xf32, #tpu.memory_space<hbm>>
    %dma_start3A_95 = tpu.memref_slice %arg4[%add3A_91] : memref<16384xf32, #tpu.memory_space<hbm>> -> memref<256xf32, #tpu.memory_space<hbm>>
    %dma_start3A_96 = arith.constant 0 : i32
    %dma_start3A_97 = tpu.memref_slice %arg7[%dma_start3A_96] : memref<1024xf32, #tpu.memory_space<vmem>> -> memref<256xf32, #tpu.memory_space<vmem>>
    tpu.enqueue_dma source(%dma_start3A_97 : memref<256xf32, #tpu.memory_space<vmem>>) target(%dma_start3A_95 : memref<256xf32, #tpu.memory_space<hbm>>) target_semaphore(%arg10 : memref<!tpu.dma_semaphore, #tpu.memory_space<semaphore_mem>>)
    %get3A_98 = arith.constant 256 : index
    %get3A_99 = tpu.vector_load %arg6[%get3A_98] {strides = array<i32>} : memref<1024xi32, #tpu.memory_space<vmem>>, vector<16xi32>,
    %gather3A_100 = tpu.vector_load_idx %arg5[%get3A_99] : memref<16xf32, #tpu.memory_space<vmem>>[vector<16xi32>], vector<16xf32>,
    %swap3A_101 = arith.constant 256 : index
    %swap3A_102 = tpu.vector_load %arg7[%swap3A_101] {strides = array<i32>} : memref<1024xf32, #tpu.memory_space<vmem>>, vector<16xf32>,
    tpu.vector_store %arg7[%swap3A_101], %gather3A_100 {strides = array<i32>} : memref<1024xf32, #tpu.memory_space<vmem>>, vector<16xf32>,
    %get3A_103 = arith.constant 272 : index
    %get3A_104 = tpu.vector_load %arg6[%get3A_103] {strides = array<i32>} : memref<1024xi32, #tpu.memory_space<vmem>>, vector<16xi32>,
    %gather3A_105 = tpu.vector_load_idx %arg5[%get3A_104] : memref<16xf32, #tpu.memory_space<vmem>>[vector<16xi32>], vector<16xf32>,
    %swap3A_106 = arith.constant 272 : index
    %swap3A_107 = tpu.vector_load %arg7[%swap3A_106] {strides = array<i32>} : memref<1024xf32, #tpu.memory_space<vmem>>, vector<16xf32>,
    tpu.vector_store %arg7[%swap3A_106], %gather3A_105 {strides = array<i32>} : memref<1024xf32, #tpu.memory_space<vmem>>, vector<16xf32>,
    %get3A_108 = arith.constant 288 : index
    %get3A_109 = tpu.vector_load %arg6[%get3A_108] {strides = array<i32>} : memref<1024xi32, #tpu.memory_space<vmem>>, vector<16xi32>,
    %gather3A_110 = tpu.vector_load_idx %arg5[%get3A_109] : memref<16xf32, #tpu.memory_space<vmem>>[vector<16xi32>], vector<16xf32>,
    %swap3A_111 = arith.constant 288 : index
    %swap3A_112 = tpu.vector_load %arg7[%swap3A_111] {strides = array<i32>} : memref<1024xf32, #tpu.memory_space<vmem>>, vector<16xf32>,
    tpu.vector_store %arg7[%swap3A_111], %gather3A_110 {strides = array<i32>} : memref<1024xf32, #tpu.memory_space<vmem>>, vector<16xf32>,
    %get3A_113 = arith.constant 304 : index
    %get3A_114 = tpu.vector_load %arg6[%get3A_113] {strides = array<i32>} : memref<1024xi32, #tpu.memory_space<vmem>>, vector<16xi32>,
    %gather3A_115 = tpu.vector_load_idx %arg5[%get3A_114] : memref<16xf32, #tpu.memory_space<vmem>>[vector<16xi32>], vector<16xf32>,
    %swap3A_116 = arith.constant 304 : index
    %swap3A_117 = tpu.vector_load %arg7[%swap3A_116] {strides = array<i32>} : memref<1024xf32, #tpu.memory_space<vmem>>, vector<16xf32>,
    tpu.vector_store %arg7[%swap3A_116], %gather3A_115 {strides = array<i32>} : memref<1024xf32, #tpu.memory_space<vmem>>, vector<16xf32>,
    %get3A_118 = arith.constant 320 : index
    %get3A_119 = tpu.vector_load %arg6[%get3A_118] {strides = array<i32>} : memref<1024xi32, #tpu.memory_space<vmem>>, vector<16xi32>,
    %gather3A_120 = tpu.vector_load_idx %arg5[%get3A_119] : memref<16xf32, #tpu.memory_space<vmem>>[vector<16xi32>], vector<16xf32>,
    %swap3A_121 = arith.constant 320 : index
    %swap3A_122 = tpu.vector_load %arg7[%swap3A_121] {strides = array<i32>} : memref<1024xf32, #tpu.memory_space<vmem>>, vector<16xf32>,
    tpu.vector_store %arg7[%swap3A_121], %gather3A_120 {strides = array<i32>} : memref<1024xf32, #tpu.memory_space<vmem>>, vector<16xf32>,
    %get3A_123 = arith.constant 336 : index
    %get3A_124 = tpu.vector_load %arg6[%get3A_123] {strides = array<i32>} : memref<1024xi32, #tpu.memory_space<vmem>>, vector<16xi32>,
    %gather3A_125 = tpu.vector_load_idx %arg5[%get3A_124] : memref<16xf32, #tpu.memory_space<vmem>>[vector<16xi32>], vector<16xf32>,
    %swap3A_126 = arith.constant 336 : index
    %swap3A_127 = tpu.vector_load %arg7[%swap3A_126] {strides = array<i32>} : memref<1024xf32, #tpu.memory_space<vmem>>, vector<16xf32>,
    tpu.vector_store %arg7[%swap3A_126], %gather3A_125 {strides = array<i32>} : memref<1024xf32, #tpu.memory_space<vmem>>, vector<16xf32>,
    %get3A_128 = arith.constant 352 : index
    %get3A_129 = tpu.vector_load %arg6[%get3A_128] {strides = array<i32>} : memref<1024xi32, #tpu.memory_space<vmem>>, vector<16xi32>,
    %gather3A_130 = tpu.vector_load_idx %arg5[%get3A_129] : memref<16xf32, #tpu.memory_space<vmem>>[vector<16xi32>], vector<16xf32>,
    %swap3A_131 = arith.constant 352 : index
    %swap3A_132 = tpu.vector_load %arg7[%swap3A_131] {strides = array<i32>} : memref<1024xf32, #tpu.memory_space<vmem>>, vector<16xf32>,
    tpu.vector_store %arg7[%swap3A_131], %gather3A_130 {strides = array<i32>} : memref<1024xf32, #tpu.memory_space<vmem>>, vector<16xf32>,
    %get3A_133 = arith.constant 368 : index
    %get3A_134 = tpu.vector_load %arg6[%get3A_133] {strides = array<i32>} : memref<1024xi32, #tpu.memory_space<vmem>>, vector<16xi32>,
    %gather3A_135 = tpu.vector_load_idx %arg5[%get3A_134] : memref<16xf32, #tpu.memory_space<vmem>>[vector<16xi32>], vector<16xf32>,
    %swap3A_136 = arith.constant 368 : index
    %swap3A_137 = tpu.vector_load %arg7[%swap3A_136] {strides = array<i32>} : memref<1024xf32, #tpu.memory_space<vmem>>, vector<16xf32>,
    tpu.vector_store %arg7[%swap3A_136], %gather3A_135 {strides = array<i32>} : memref<1024xf32, #tpu.memory_space<vmem>>, vector<16xf32>,
    %get3A_138 = arith.constant 384 : index
    %get3A_139 = tpu.vector_load %arg6[%get3A_138] {strides = array<i32>} : memref<1024xi32, #tpu.memory_space<vmem>>, vector<16xi32>,
    %gather3A_140 = tpu.vector_load_idx %arg5[%get3A_139] : memref<16xf32, #tpu.memory_space<vmem>>[vector<16xi32>], vector<16xf32>,
    %swap3A_141 = arith.constant 384 : index
    %swap3A_142 = tpu.vector_load %arg7[%swap3A_141] {strides = array<i32>} : memref<1024xf32, #tpu.memory_space<vmem>>, vector<16xf32>,
    tpu.vector_store %arg7[%swap3A_141], %gather3A_140 {strides = array<i32>} : memref<1024xf32, #tpu.memory_space<vmem>>, vector<16xf32>,
    %get3A_143 = arith.constant 400 : index
    %get3A_144 = tpu.vector_load %arg6[%get3A_143] {strides = array<i32>} : memref<1024xi32, #tpu.memory_space<vmem>>, vector<16xi32>,
    %gather3A_145 = tpu.vector_load_idx %arg5[%get3A_144] : memref<16xf32, #tpu.memory_space<vmem>>[vector<16xi32>], vector<16xf32>,
    %swap3A_146 = arith.constant 400 : index
    %swap3A_147 = tpu.vector_load %arg7[%swap3A_146] {strides = array<i32>} : memref<1024xf32, #tpu.memory_space<vmem>>, vector<16xf32>,
    tpu.vector_store %arg7[%swap3A_146], %gather3A_145 {strides = array<i32>} : memref<1024xf32, #tpu.memory_space<vmem>>, vector<16xf32>,
    %get3A_148 = arith.constant 416 : index
    %get3A_149 = tpu.vector_load %arg6[%get3A_148] {strides = array<i32>} : memref<1024xi32, #tpu.memory_space<vmem>>, vector<16xi32>,
    %gather3A_150 = tpu.vector_load_idx %arg5[%get3A_149] : memref<16xf32, #tpu.memory_space<vmem>>[vector<16xi32>], vector<16xf32>,
    %swap3A_151 = arith.constant 416 : index
    %swap3A_152 = tpu.vector_load %arg7[%swap3A_151] {strides = array<i32>} : memref<1024xf32, #tpu.memory_space<vmem>>, vector<16xf32>,
    tpu.vector_store %arg7[%swap3A_151], %gather3A_150 {strides = array<i32>} : memref<1024xf32, #tpu.memory_space<vmem>>, vector<16xf32>,
    %get3A_153 = arith.constant 432 : index
    %get3A_154 = tpu.vector_load %arg6[%get3A_153] {strides = array<i32>} : memref<1024xi32, #tpu.memory_space<vmem>>, vector<16xi32>,
    %gather3A_155 = tpu.vector_load_idx %arg5[%get3A_154] : memref<16xf32, #tpu.memory_space<vmem>>[vector<16xi32>], vector<16xf32>,
    %swap3A_156 = arith.constant 432 : index
    %swap3A_157 = tpu.vector_load %arg7[%swap3A_156] {strides = array<i32>} : memref<1024xf32, #tpu.memory_space<vmem>>, vector<16xf32>,
    tpu.vector_store %arg7[%swap3A_156], %gather3A_155 {strides = array<i32>} : memref<1024xf32, #tpu.memory_space<vmem>>, vector<16xf32>,
    %get3A_158 = arith.constant 448 : index
    %get3A_159 = tpu.vector_load %arg6[%get3A_158] {strides = array<i32>} : memref<1024xi32, #tpu.memory_space<vmem>>, vector<16xi32>,
    %gather3A_160 = tpu.vector_load_idx %arg5[%get3A_159] : memref<16xf32, #tpu.memory_space<vmem>>[vector<16xi32>], vector<16xf32>,
    %swap3A_161 = arith.constant 448 : index
    %swap3A_162 = tpu.vector_load %arg7[%swap3A_161] {strides = array<i32>} : memref<1024xf32, #tpu.memory_space<vmem>>, vector<16xf32>,
    tpu.vector_store %arg7[%swap3A_161], %gather3A_160 {strides = array<i32>} : memref<1024xf32, #tpu.memory_space<vmem>>, vector<16xf32>,
    %get3A_163 = arith.constant 464 : index
    %get3A_164 = tpu.vector_load %arg6[%get3A_163] {strides = array<i32>} : memref<1024xi32, #tpu.memory_space<vmem>>, vector<16xi32>,
    %gather3A_165 = tpu.vector_load_idx %arg5[%get3A_164] : memref<16xf32, #tpu.memory_space<vmem>>[vector<16xi32>], vector<16xf32>,
    %swap3A_166 = arith.constant 464 : index
    %swap3A_167 = tpu.vector_load %arg7[%swap3A_166] {strides = array<i32>} : memref<1024xf32, #tpu.memory_space<vmem>>, vector<16xf32>,
    tpu.vector_store %arg7[%swap3A_166], %gather3A_165 {strides = array<i32>} : memref<1024xf32, #tpu.memory_space<vmem>>, vector<16xf32>,
    %get3A_168 = arith.constant 480 : index
    %get3A_169 = tpu.vector_load %arg6[%get3A_168] {strides = array<i32>} : memref<1024xi32, #tpu.memory_space<vmem>>, vector<16xi32>,
    %gather3A_170 = tpu.vector_load_idx %arg5[%get3A_169] : memref<16xf32, #tpu.memory_space<vmem>>[vector<16xi32>], vector<16xf32>,
    %swap3A_171 = arith.constant 480 : index
    %swap3A_172 = tpu.vector_load %arg7[%swap3A_171] {strides = array<i32>} : memref<1024xf32, #tpu.memory_space<vmem>>, vector<16xf32>,
    tpu.vector_store %arg7[%swap3A_171], %gather3A_170 {strides = array<i32>} : memref<1024xf32, #tpu.memory_space<vmem>>, vector<16xf32>,
    %get3A_173 = arith.constant 496 : index
    %get3A_174 = tpu.vector_load %arg6[%get3A_173] {strides = array<i32>} : memref<1024xi32, #tpu.memory_space<vmem>>, vector<16xi32>,
    %gather3A_175 = tpu.vector_load_idx %arg5[%get3A_174] : memref<16xf32, #tpu.memory_space<vmem>>[vector<16xi32>], vector<16xf32>,
    %swap3A_176 = arith.constant 496 : index
    %swap3A_177 = tpu.vector_load %arg7[%swap3A_176] {strides = array<i32>} : memref<1024xf32, #tpu.memory_space<vmem>>, vector<16xf32>,
    tpu.vector_store %arg7[%swap3A_176], %gather3A_175 {strides = array<i32>} : memref<1024xf32, #tpu.memory_space<vmem>>, vector<16xf32>,
    %add3A_178 = arith.constant 256 : i32
    %add3A_179 = arith.addi %mul3A_2, %add3A_178 : i32
    %dma_start3A_180 = arith.constant 256 : i32
    %dma_start3A_181 = tpu.memref_slice %arg7[%dma_start3A_180] : memref<1024xf32, #tpu.memory_space<vmem>> -> memref<256xf32, #tpu.memory_space<vmem>>
    %dma_start3A_182 = tpu.memref_slice %arg4[%add3A_179] : memref<16384xf32, #tpu.memory_space<hbm>> -> memref<256xf32, #tpu.memory_space<hbm>>
    %dma_start3A_183 = tpu.memref_slice %arg4[%add3A_179] : memref<16384xf32, #tpu.memory_space<hbm>> -> memref<256xf32, #tpu.memory_space<hbm>>
    %dma_start3A_184 = arith.constant 256 : i32
    %dma_start3A_185 = tpu.memref_slice %arg7[%dma_start3A_184] : memref<1024xf32, #tpu.memory_space<vmem>> -> memref<256xf32, #tpu.memory_space<vmem>>
    tpu.enqueue_dma source(%dma_start3A_185 : memref<256xf32, #tpu.memory_space<vmem>>) target(%dma_start3A_183 : memref<256xf32, #tpu.memory_space<hbm>>) target_semaphore(%arg10 : memref<!tpu.dma_semaphore, #tpu.memory_space<semaphore_mem>>)
    %get3A_186 = arith.constant 512 : index
    %get3A_187 = tpu.vector_load %arg6[%get3A_186] {strides = array<i32>} : memref<1024xi32, #tpu.memory_space<vmem>>, vector<16xi32>,
    %gather3A_188 = tpu.vector_load_idx %arg5[%get3A_187] : memref<16xf32, #tpu.memory_space<vmem>>[vector<16xi32>], vector<16xf32>,
    %swap3A_189 = arith.constant 512 : index
    %swap3A_190 = tpu.vector_load %arg7[%swap3A_189] {strides = array<i32>} : memref<1024xf32, #tpu.memory_space<vmem>>, vector<16xf32>,
    tpu.vector_store %arg7[%swap3A_189], %gather3A_188 {strides = array<i32>} : memref<1024xf32, #tpu.memory_space<vmem>>, vector<16xf32>,
    %get3A_191 = arith.constant 528 : index
    %get3A_192 = tpu.vector_load %arg6[%get3A_191] {strides = array<i32>} : memref<1024xi32, #tpu.memory_space<vmem>>, vector<16xi32>,
    %gather3A_193 = tpu.vector_load_idx %arg5[%get3A_192] : memref<16xf32, #tpu.memory_space<vmem>>[vector<16xi32>], vector<16xf32>,
    %swap3A_194 = arith.constant 528 : index
    %swap3A_195 = tpu.vector_load %arg7[%swap3A_194] {strides = array<i32>} : memref<1024xf32, #tpu.memory_space<vmem>>, vector<16xf32>,
    tpu.vector_store %arg7[%swap3A_194], %gather3A_193 {strides = array<i32>} : memref<1024xf32, #tpu.memory_space<vmem>>, vector<16xf32>,
    %get3A_196 = arith.constant 544 : index
    %get3A_197 = tpu.vector_load %arg6[%get3A_196] {strides = array<i32>} : memref<1024xi32, #tpu.memory_space<vmem>>, vector<16xi32>,
    %gather3A_198 = tpu.vector_load_idx %arg5[%get3A_197] : memref<16xf32, #tpu.memory_space<vmem>>[vector<16xi32>], vector<16xf32>,
    %swap3A_199 = arith.constant 544 : index
    %swap3A_200 = tpu.vector_load %arg7[%swap3A_199] {strides = array<i32>} : memref<1024xf32, #tpu.memory_space<vmem>>, vector<16xf32>,
    tpu.vector_store %arg7[%swap3A_199], %gather3A_198 {strides = array<i32>} : memref<1024xf32, #tpu.memory_space<vmem>>, vector<16xf32>,
    %get3A_201 = arith.constant 560 : index
    %get3A_202 = tpu.vector_load %arg6[%get3A_201] {strides = array<i32>} : memref<1024xi32, #tpu.memory_space<vmem>>, vector<16xi32>,
    %gather3A_203 = tpu.vector_load_idx %arg5[%get3A_202] : memref<16xf32, #tpu.memory_space<vmem>>[vector<16xi32>], vector<16xf32>,
    %swap3A_204 = arith.constant 560 : index
    %swap3A_205 = tpu.vector_load %arg7[%swap3A_204] {strides = array<i32>} : memref<1024xf32, #tpu.memory_space<vmem>>, vector<16xf32>,
    tpu.vector_store %arg7[%swap3A_204], %gather3A_203 {strides = array<i32>} : memref<1024xf32, #tpu.memory_space<vmem>>, vector<16xf32>,
    %get3A_206 = arith.constant 576 : index
    %get3A_207 = tpu.vector_load %arg6[%get3A_206] {strides = array<i32>} : memref<1024xi32, #tpu.memory_space<vmem>>, vector<16xi32>,
    %gather3A_208 = tpu.vector_load_idx %arg5[%get3A_207] : memref<16xf32, #tpu.memory_space<vmem>>[vector<16xi32>], vector<16xf32>,
    %swap3A_209 = arith.constant 576 : index
    %swap3A_210 = tpu.vector_load %arg7[%swap3A_209] {strides = array<i32>} : memref<1024xf32, #tpu.memory_space<vmem>>, vector<16xf32>,
    tpu.vector_store %arg7[%swap3A_209], %gather3A_208 {strides = array<i32>} : memref<1024xf32, #tpu.memory_space<vmem>>, vector<16xf32>,
    %get3A_211 = arith.constant 592 : index
    %get3A_212 = tpu.vector_load %arg6[%get3A_211] {strides = array<i32>} : memref<1024xi32, #tpu.memory_space<vmem>>, vector<16xi32>,
    %gather3A_213 = tpu.vector_load_idx %arg5[%get3A_212] : memref<16xf32, #tpu.memory_space<vmem>>[vector<16xi32>], vector<16xf32>,
    %swap3A_214 = arith.constant 592 : index
    %swap3A_215 = tpu.vector_load %arg7[%swap3A_214] {strides = array<i32>} : memref<1024xf32, #tpu.memory_space<vmem>>, vector<16xf32>,
    tpu.vector_store %arg7[%swap3A_214], %gather3A_213 {strides = array<i32>} : memref<1024xf32, #tpu.memory_space<vmem>>, vector<16xf32>,
    %get3A_216 = arith.constant 608 : index
    %get3A_217 = tpu.vector_load %arg6[%get3A_216] {strides = array<i32>} : memref<1024xi32, #tpu.memory_space<vmem>>, vector<16xi32>,
    %gather3A_218 = tpu.vector_load_idx %arg5[%get3A_217] : memref<16xf32, #tpu.memory_space<vmem>>[vector<16xi32>], vector<16xf32>,
    %swap3A_219 = arith.constant 608 : index
    %swap3A_220 = tpu.vector_load %arg7[%swap3A_219] {strides = array<i32>} : memref<1024xf32, #tpu.memory_space<vmem>>, vector<16xf32>,
    tpu.vector_store %arg7[%swap3A_219], %gather3A_218 {strides = array<i32>} : memref<1024xf32, #tpu.memory_space<vmem>>, vector<16xf32>,
    %get3A_221 = arith.constant 624 : index
    %get3A_222 = tpu.vector_load %arg6[%get3A_221] {strides = array<i32>} : memref<1024xi32, #tpu.memory_space<vmem>>, vector<16xi32>,
    %gather3A_223 = tpu.vector_load_idx %arg5[%get3A_222] : memref<16xf32, #tpu.memory_space<vmem>>[vector<16xi32>], vector<16xf32>,
    %swap3A_224 = arith.constant 624 : index
    %swap3A_225 = tpu.vector_load %arg7[%swap3A_224] {strides = array<i32>} : memref<1024xf32, #tpu.memory_space<vmem>>, vector<16xf32>,
    tpu.vector_store %arg7[%swap3A_224], %gather3A_223 {strides = array<i32>} : memref<1024xf32, #tpu.memory_space<vmem>>, vector<16xf32>,
    %get3A_226 = arith.constant 640 : index
    %get3A_227 = tpu.vector_load %arg6[%get3A_226] {strides = array<i32>} : memref<1024xi32, #tpu.memory_space<vmem>>, vector<16xi32>,
    %gather3A_228 = tpu.vector_load_idx %arg5[%get3A_227] : memref<16xf32, #tpu.memory_space<vmem>>[vector<16xi32>], vector<16xf32>,
    %swap3A_229 = arith.constant 640 : index
    %swap3A_230 = tpu.vector_load %arg7[%swap3A_229] {strides = array<i32>} : memref<1024xf32, #tpu.memory_space<vmem>>, vector<16xf32>,
    tpu.vector_store %arg7[%swap3A_229], %gather3A_228 {strides = array<i32>} : memref<1024xf32, #tpu.memory_space<vmem>>, vector<16xf32>,
    %get3A_231 = arith.constant 656 : index
    %get3A_232 = tpu.vector_load %arg6[%get3A_231] {strides = array<i32>} : memref<1024xi32, #tpu.memory_space<vmem>>, vector<16xi32>,
    %gather3A_233 = tpu.vector_load_idx %arg5[%get3A_232] : memref<16xf32, #tpu.memory_space<vmem>>[vector<16xi32>], vector<16xf32>,
    %swap3A_234 = arith.constant 656 : index
    %swap3A_235 = tpu.vector_load %arg7[%swap3A_234] {strides = array<i32>} : memref<1024xf32, #tpu.memory_space<vmem>>, vector<16xf32>,
    tpu.vector_store %arg7[%swap3A_234], %gather3A_233 {strides = array<i32>} : memref<1024xf32, #tpu.memory_space<vmem>>, vector<16xf32>,
    %get3A_236 = arith.constant 672 : index
    %get3A_237 = tpu.vector_load %arg6[%get3A_236] {strides = array<i32>} : memref<1024xi32, #tpu.memory_space<vmem>>, vector<16xi32>,
    %gather3A_238 = tpu.vector_load_idx %arg5[%get3A_237] : memref<16xf32, #tpu.memory_space<vmem>>[vector<16xi32>], vector<16xf32>,
    %swap3A_239 = arith.constant 672 : index
    %swap3A_240 = tpu.vector_load %arg7[%swap3A_239] {strides = array<i32>} : memref<1024xf32, #tpu.memory_space<vmem>>, vector<16xf32>,
    tpu.vector_store %arg7[%swap3A_239], %gather3A_238 {strides = array<i32>} : memref<1024xf32, #tpu.memory_space<vmem>>, vector<16xf32>,
    %get3A_241 = arith.constant 688 : index
    %get3A_242 = tpu.vector_load %arg6[%get3A_241] {strides = array<i32>} : memref<1024xi32, #tpu.memory_space<vmem>>, vector<16xi32>,
    %gather3A_243 = tpu.vector_load_idx %arg5[%get3A_242] : memref<16xf32, #tpu.memory_space<vmem>>[vector<16xi32>], vector<16xf32>,
    %swap3A_244 = arith.constant 688 : index
    %swap3A_245 = tpu.vector_load %arg7[%swap3A_244] {strides = array<i32>} : memref<1024xf32, #tpu.memory_space<vmem>>, vector<16xf32>,
    tpu.vector_store %arg7[%swap3A_244], %gather3A_243 {strides = array<i32>} : memref<1024xf32, #tpu.memory_space<vmem>>, vector<16xf32>,
    %get3A_246 = arith.constant 704 : index
    %get3A_247 = tpu.vector_load %arg6[%get3A_246] {strides = array<i32>} : memref<1024xi32, #tpu.memory_space<vmem>>, vector<16xi32>,
    %gather3A_248 = tpu.vector_load_idx %arg5[%get3A_247] : memref<16xf32, #tpu.memory_space<vmem>>[vector<16xi32>], vector<16xf32>,
    %swap3A_249 = arith.constant 704 : index
    %swap3A_250 = tpu.vector_load %arg7[%swap3A_249] {strides = array<i32>} : memref<1024xf32, #tpu.memory_space<vmem>>, vector<16xf32>,
    tpu.vector_store %arg7[%swap3A_249], %gather3A_248 {strides = array<i32>} : memref<1024xf32, #tpu.memory_space<vmem>>, vector<16xf32>,
    %get3A_251 = arith.constant 720 : index
    %get3A_252 = tpu.vector_load %arg6[%get3A_251] {strides = array<i32>} : memref<1024xi32, #tpu.memory_space<vmem>>, vector<16xi32>,
    %gather3A_253 = tpu.vector_load_idx %arg5[%get3A_252] : memref<16xf32, #tpu.memory_space<vmem>>[vector<16xi32>], vector<16xf32>,
    %swap3A_254 = arith.constant 720 : index
    %swap3A_255 = tpu.vector_load %arg7[%swap3A_254] {strides = array<i32>} : memref<1024xf32, #tpu.memory_space<vmem>>, vector<16xf32>,
    tpu.vector_store %arg7[%swap3A_254], %gather3A_253 {strides = array<i32>} : memref<1024xf32, #tpu.memory_space<vmem>>, vector<16xf32>,
    %get3A_256 = arith.constant 736 : index
    %get3A_257 = tpu.vector_load %arg6[%get3A_256] {strides = array<i32>} : memref<1024xi32, #tpu.memory_space<vmem>>, vector<16xi32>,
    %gather3A_258 = tpu.vector_load_idx %arg5[%get3A_257] : memref<16xf32, #tpu.memory_space<vmem>>[vector<16xi32>], vector<16xf32>,
    %swap3A_259 = arith.constant 736 : index
    %swap3A_260 = tpu.vector_load %arg7[%swap3A_259] {strides = array<i32>} : memref<1024xf32, #tpu.memory_space<vmem>>, vector<16xf32>,
    tpu.vector_store %arg7[%swap3A_259], %gather3A_258 {strides = array<i32>} : memref<1024xf32, #tpu.memory_space<vmem>>, vector<16xf32>,
    %get3A_261 = arith.constant 752 : index
    %get3A_262 = tpu.vector_load %arg6[%get3A_261] {strides = array<i32>} : memref<1024xi32, #tpu.memory_space<vmem>>, vector<16xi32>,
    %gather3A_263 = tpu.vector_load_idx %arg5[%get3A_262] : memref<16xf32, #tpu.memory_space<vmem>>[vector<16xi32>], vector<16xf32>,
    %swap3A_264 = arith.constant 752 : index
    %swap3A_265 = tpu.vector_load %arg7[%swap3A_264] {strides = array<i32>} : memref<1024xf32, #tpu.memory_space<vmem>>, vector<16xf32>,
    tpu.vector_store %arg7[%swap3A_264], %gather3A_263 {strides = array<i32>} : memref<1024xf32, #tpu.memory_space<vmem>>, vector<16xf32>,
    %add3A_266 = arith.constant 512 : i32
    %add3A_267 = arith.addi %mul3A_2, %add3A_266 : i32
    %dma_start3A_268 = arith.constant 512 : i32
    %dma_start3A_269 = tpu.memref_slice %arg7[%dma_start3A_268] : memref<1024xf32, #tpu.memory_space<vmem>> -> memref<256xf32, #tpu.memory_space<vmem>>
    %dma_start3A_270 = tpu.memref_slice %arg4[%add3A_267] : memref<16384xf32, #tpu.memory_space<hbm>> -> memref<256xf32, #tpu.memory_space<hbm>>
    %dma_start3A_271 = tpu.memref_slice %arg4[%add3A_267] : memref<16384xf32, #tpu.memory_space<hbm>> -> memref<256xf32, #tpu.memory_space<hbm>>
    %dma_start3A_272 = arith.constant 512 : i32
    %dma_start3A_273 = tpu.memref_slice %arg7[%dma_start3A_272] : memref<1024xf32, #tpu.memory_space<vmem>> -> memref<256xf32, #tpu.memory_space<vmem>>
    tpu.enqueue_dma source(%dma_start3A_273 : memref<256xf32, #tpu.memory_space<vmem>>) target(%dma_start3A_271 : memref<256xf32, #tpu.memory_space<hbm>>) target_semaphore(%arg10 : memref<!tpu.dma_semaphore, #tpu.memory_space<semaphore_mem>>)
    %get3A_274 = arith.constant 768 : index
    %get3A_275 = tpu.vector_load %arg6[%get3A_274] {strides = array<i32>} : memref<1024xi32, #tpu.memory_space<vmem>>, vector<16xi32>,
    %gather3A_276 = tpu.vector_load_idx %arg5[%get3A_275] : memref<16xf32, #tpu.memory_space<vmem>>[vector<16xi32>], vector<16xf32>,
    %swap3A_277 = arith.constant 768 : index
    %swap3A_278 = tpu.vector_load %arg7[%swap3A_277] {strides = array<i32>} : memref<1024xf32, #tpu.memory_space<vmem>>, vector<16xf32>,
    tpu.vector_store %arg7[%swap3A_277], %gather3A_276 {strides = array<i32>} : memref<1024xf32, #tpu.memory_space<vmem>>, vector<16xf32>,
    %get3A_279 = arith.constant 784 : index
    %get3A_280 = tpu.vector_load %arg6[%get3A_279] {strides = array<i32>} : memref<1024xi32, #tpu.memory_space<vmem>>, vector<16xi32>,
    %gather3A_281 = tpu.vector_load_idx %arg5[%get3A_280] : memref<16xf32, #tpu.memory_space<vmem>>[vector<16xi32>], vector<16xf32>,
    %swap3A_282 = arith.constant 784 : index
    %swap3A_283 = tpu.vector_load %arg7[%swap3A_282] {strides = array<i32>} : memref<1024xf32, #tpu.memory_space<vmem>>, vector<16xf32>,
    tpu.vector_store %arg7[%swap3A_282], %gather3A_281 {strides = array<i32>} : memref<1024xf32, #tpu.memory_space<vmem>>, vector<16xf32>,
    %get3A_284 = arith.constant 800 : index
    %get3A_285 = tpu.vector_load %arg6[%get3A_284] {strides = array<i32>} : memref<1024xi32, #tpu.memory_space<vmem>>, vector<16xi32>,
    %gather3A_286 = tpu.vector_load_idx %arg5[%get3A_285] : memref<16xf32, #tpu.memory_space<vmem>>[vector<16xi32>], vector<16xf32>,
    %swap3A_287 = arith.constant 800 : index
    %swap3A_288 = tpu.vector_load %arg7[%swap3A_287] {strides = array<i32>} : memref<1024xf32, #tpu.memory_space<vmem>>, vector<16xf32>,
    tpu.vector_store %arg7[%swap3A_287], %gather3A_286 {strides = array<i32>} : memref<1024xf32, #tpu.memory_space<vmem>>, vector<16xf32>,
    %get3A_289 = arith.constant 816 : index
    %get3A_290 = tpu.vector_load %arg6[%get3A_289] {strides = array<i32>} : memref<1024xi32, #tpu.memory_space<vmem>>, vector<16xi32>,
    %gather3A_291 = tpu.vector_load_idx %arg5[%get3A_290] : memref<16xf32, #tpu.memory_space<vmem>>[vector<16xi32>], vector<16xf32>,
    %swap3A_292 = arith.constant 816 : index
    %swap3A_293 = tpu.vector_load %arg7[%swap3A_292] {strides = array<i32>} : memref<1024xf32, #tpu.memory_space<vmem>>, vector<16xf32>,
    tpu.vector_store %arg7[%swap3A_292], %gather3A_291 {strides = array<i32>} : memref<1024xf32, #tpu.memory_space<vmem>>, vector<16xf32>,
    %get3A_294 = arith.constant 832 : index
    %get3A_295 = tpu.vector_load %arg6[%get3A_294] {strides = array<i32>} : memref<1024xi32, #tpu.memory_space<vmem>>, vector<16xi32>,
    %gather3A_296 = tpu.vector_load_idx %arg5[%get3A_295] : memref<16xf32, #tpu.memory_space<vmem>>[vector<16xi32>], vector<16xf32>,
    %swap3A_297 = arith.constant 832 : index
    %swap3A_298 = tpu.vector_load %arg7[%swap3A_297] {strides = array<i32>} : memref<1024xf32, #tpu.memory_space<vmem>>, vector<16xf32>,
    tpu.vector_store %arg7[%swap3A_297], %gather3A_296 {strides = array<i32>} : memref<1024xf32, #tpu.memory_space<vmem>>, vector<16xf32>,
    %get3A_299 = arith.constant 848 : index
    %get3A_300 = tpu.vector_load %arg6[%get3A_299] {strides = array<i32>} : memref<1024xi32, #tpu.memory_space<vmem>>, vector<16xi32>,
    %gather3A_301 = tpu.vector_load_idx %arg5[%get3A_300] : memref<16xf32, #tpu.memory_space<vmem>>[vector<16xi32>], vector<16xf32>,
    %swap3A_302 = arith.constant 848 : index
    %swap3A_303 = tpu.vector_load %arg7[%swap3A_302] {strides = array<i32>} : memref<1024xf32, #tpu.memory_space<vmem>>, vector<16xf32>,
    tpu.vector_store %arg7[%swap3A_302], %gather3A_301 {strides = array<i32>} : memref<1024xf32, #tpu.memory_space<vmem>>, vector<16xf32>,
    %get3A_304 = arith.constant 864 : index
    %get3A_305 = tpu.vector_load %arg6[%get3A_304] {strides = array<i32>} : memref<1024xi32, #tpu.memory_space<vmem>>, vector<16xi32>,
    %gather3A_306 = tpu.vector_load_idx %arg5[%get3A_305] : memref<16xf32, #tpu.memory_space<vmem>>[vector<16xi32>], vector<16xf32>,
    %swap3A_307 = arith.constant 864 : index
    %swap3A_308 = tpu.vector_load %arg7[%swap3A_307] {strides = array<i32>} : memref<1024xf32, #tpu.memory_space<vmem>>, vector<16xf32>,
    tpu.vector_store %arg7[%swap3A_307], %gather3A_306 {strides = array<i32>} : memref<1024xf32, #tpu.memory_space<vmem>>, vector<16xf32>,
    %get3A_309 = arith.constant 880 : index
    %get3A_310 = tpu.vector_load %arg6[%get3A_309] {strides = array<i32>} : memref<1024xi32, #tpu.memory_space<vmem>>, vector<16xi32>,
    %gather3A_311 = tpu.vector_load_idx %arg5[%get3A_310] : memref<16xf32, #tpu.memory_space<vmem>>[vector<16xi32>], vector<16xf32>,
    %swap3A_312 = arith.constant 880 : index
    %swap3A_313 = tpu.vector_load %arg7[%swap3A_312] {strides = array<i32>} : memref<1024xf32, #tpu.memory_space<vmem>>, vector<16xf32>,
    tpu.vector_store %arg7[%swap3A_312], %gather3A_311 {strides = array<i32>} : memref<1024xf32, #tpu.memory_space<vmem>>, vector<16xf32>,
    %get3A_314 = arith.constant 896 : index
    %get3A_315 = tpu.vector_load %arg6[%get3A_314] {strides = array<i32>} : memref<1024xi32, #tpu.memory_space<vmem>>, vector<16xi32>,
    %gather3A_316 = tpu.vector_load_idx %arg5[%get3A_315] : memref<16xf32, #tpu.memory_space<vmem>>[vector<16xi32>], vector<16xf32>,
    %swap3A_317 = arith.constant 896 : index
    %swap3A_318 = tpu.vector_load %arg7[%swap3A_317] {strides = array<i32>} : memref<1024xf32, #tpu.memory_space<vmem>>, vector<16xf32>,
    tpu.vector_store %arg7[%swap3A_317], %gather3A_316 {strides = array<i32>} : memref<1024xf32, #tpu.memory_space<vmem>>, vector<16xf32>,
    %get3A_319 = arith.constant 912 : index
    %get3A_320 = tpu.vector_load %arg6[%get3A_319] {strides = array<i32>} : memref<1024xi32, #tpu.memory_space<vmem>>, vector<16xi32>,
    %gather3A_321 = tpu.vector_load_idx %arg5[%get3A_320] : memref<16xf32, #tpu.memory_space<vmem>>[vector<16xi32>], vector<16xf32>,
    %swap3A_322 = arith.constant 912 : index
    %swap3A_323 = tpu.vector_load %arg7[%swap3A_322] {strides = array<i32>} : memref<1024xf32, #tpu.memory_space<vmem>>, vector<16xf32>,
    tpu.vector_store %arg7[%swap3A_322], %gather3A_321 {strides = array<i32>} : memref<1024xf32, #tpu.memory_space<vmem>>, vector<16xf32>,
    %get3A_324 = arith.constant 928 : index
    %get3A_325 = tpu.vector_load %arg6[%get3A_324] {strides = array<i32>} : memref<1024xi32, #tpu.memory_space<vmem>>, vector<16xi32>,
    %gather3A_326 = tpu.vector_load_idx %arg5[%get3A_325] : memref<16xf32, #tpu.memory_space<vmem>>[vector<16xi32>], vector<16xf32>,
    %swap3A_327 = arith.constant 928 : index
    %swap3A_328 = tpu.vector_load %arg7[%swap3A_327] {strides = array<i32>} : memref<1024xf32, #tpu.memory_space<vmem>>, vector<16xf32>,
    tpu.vector_store %arg7[%swap3A_327], %gather3A_326 {strides = array<i32>} : memref<1024xf32, #tpu.memory_space<vmem>>, vector<16xf32>,
    %get3A_329 = arith.constant 944 : index
    %get3A_330 = tpu.vector_load %arg6[%get3A_329] {strides = array<i32>} : memref<1024xi32, #tpu.memory_space<vmem>>, vector<16xi32>,
    %gather3A_331 = tpu.vector_load_idx %arg5[%get3A_330] : memref<16xf32, #tpu.memory_space<vmem>>[vector<16xi32>], vector<16xf32>,
    %swap3A_332 = arith.constant 944 : index
    %swap3A_333 = tpu.vector_load %arg7[%swap3A_332] {strides = array<i32>} : memref<1024xf32, #tpu.memory_space<vmem>>, vector<16xf32>,
    tpu.vector_store %arg7[%swap3A_332], %gather3A_331 {strides = array<i32>} : memref<1024xf32, #tpu.memory_space<vmem>>, vector<16xf32>,
    %get3A_334 = arith.constant 960 : index
    %get3A_335 = tpu.vector_load %arg6[%get3A_334] {strides = array<i32>} : memref<1024xi32, #tpu.memory_space<vmem>>, vector<16xi32>,
    %gather3A_336 = tpu.vector_load_idx %arg5[%get3A_335] : memref<16xf32, #tpu.memory_space<vmem>>[vector<16xi32>], vector<16xf32>,
    %swap3A_337 = arith.constant 960 : index
    %swap3A_338 = tpu.vector_load %arg7[%swap3A_337] {strides = array<i32>} : memref<1024xf32, #tpu.memory_space<vmem>>, vector<16xf32>,
    tpu.vector_store %arg7[%swap3A_337], %gather3A_336 {strides = array<i32>} : memref<1024xf32, #tpu.memory_space<vmem>>, vector<16xf32>,
    %get3A_339 = arith.constant 976 : index
    %get3A_340 = tpu.vector_load %arg6[%get3A_339] {strides = array<i32>} : memref<1024xi32, #tpu.memory_space<vmem>>, vector<16xi32>,
    %gather3A_341 = tpu.vector_load_idx %arg5[%get3A_340] : memref<16xf32, #tpu.memory_space<vmem>>[vector<16xi32>], vector<16xf32>,
    %swap3A_342 = arith.constant 976 : index
    %swap3A_343 = tpu.vector_load %arg7[%swap3A_342] {strides = array<i32>} : memref<1024xf32, #tpu.memory_space<vmem>>, vector<16xf32>,
    tpu.vector_store %arg7[%swap3A_342], %gather3A_341 {strides = array<i32>} : memref<1024xf32, #tpu.memory_space<vmem>>, vector<16xf32>,
    %get3A_344 = arith.constant 992 : index
    %get3A_345 = tpu.vector_load %arg6[%get3A_344] {strides = array<i32>} : memref<1024xi32, #tpu.memory_space<vmem>>, vector<16xi32>,
    %gather3A_346 = tpu.vector_load_idx %arg5[%get3A_345] : memref<16xf32, #tpu.memory_space<vmem>>[vector<16xi32>], vector<16xf32>,
    %swap3A_347 = arith.constant 992 : index
    %swap3A_348 = tpu.vector_load %arg7[%swap3A_347] {strides = array<i32>} : memref<1024xf32, #tpu.memory_space<vmem>>, vector<16xf32>,
    tpu.vector_store %arg7[%swap3A_347], %gather3A_346 {strides = array<i32>} : memref<1024xf32, #tpu.memory_space<vmem>>, vector<16xf32>,
    %get3A_349 = arith.constant 1008 : index
    %get3A_350 = tpu.vector_load %arg6[%get3A_349] {strides = array<i32>} : memref<1024xi32, #tpu.memory_space<vmem>>, vector<16xi32>,
    %gather3A_351 = tpu.vector_load_idx %arg5[%get3A_350] : memref<16xf32, #tpu.memory_space<vmem>>[vector<16xi32>], vector<16xf32>,
    %swap3A_352 = arith.constant 1008 : index
    %swap3A_353 = tpu.vector_load %arg7[%swap3A_352] {strides = array<i32>} : memref<1024xf32, #tpu.memory_space<vmem>>, vector<16xf32>,
    tpu.vector_store %arg7[%swap3A_352], %gather3A_351 {strides = array<i32>} : memref<1024xf32, #tpu.memory_space<vmem>>, vector<16xf32>,
    %add3A_354 = arith.constant 768 : i32
    %add3A_355 = arith.addi %mul3A_2, %add3A_354 : i32
    %dma_start3A_356 = arith.constant 768 : i32
    %dma_start3A_357 = tpu.memref_slice %arg7[%dma_start3A_356] : memref<1024xf32, #tpu.memory_space<vmem>> -> memref<256xf32, #tpu.memory_space<vmem>>
    %dma_start3A_358 = tpu.memref_slice %arg4[%add3A_355] : memref<16384xf32, #tpu.memory_space<hbm>> -> memref<256xf32, #tpu.memory_space<hbm>>
    %dma_start3A_359 = tpu.memref_slice %arg4[%add3A_355] : memref<16384xf32, #tpu.memory_space<hbm>> -> memref<256xf32, #tpu.memory_space<hbm>>
    %dma_start3A_360 = arith.constant 768 : i32
    %dma_start3A_361 = tpu.memref_slice %arg7[%dma_start3A_360] : memref<1024xf32, #tpu.memory_space<vmem>> -> memref<256xf32, #tpu.memory_space<vmem>>
    tpu.enqueue_dma source(%dma_start3A_361 : memref<256xf32, #tpu.memory_space<vmem>>) target(%dma_start3A_359 : memref<256xf32, #tpu.memory_space<hbm>>) target_semaphore(%arg10 : memref<!tpu.dma_semaphore, #tpu.memory_space<semaphore_mem>>)
    %dma_wait3A_362 = arith.constant 0 : i32
    %dma_wait3A_363 = tpu.memref_slice %arg7[%dma_wait3A_362] : memref<1024xf32, #tpu.memory_space<vmem>> -> memref<256xf32, #tpu.memory_space<vmem>>
    %dma_wait3A_364 = tpu.memref_slice %arg4[%add3A_91] : memref<16384xf32, #tpu.memory_space<hbm>> -> memref<256xf32, #tpu.memory_space<hbm>>
    %dma_wait3A_365 = tpu.memref_slice %arg4[%add3A_91] : memref<16384xf32, #tpu.memory_space<hbm>> -> memref<256xf32, #tpu.memory_space<hbm>>
    %dma_wait3A_366 = arith.constant 0 : i32
    %dma_wait3A_367 = tpu.memref_slice %arg7[%dma_wait3A_366] : memref<1024xf32, #tpu.memory_space<vmem>> -> memref<256xf32, #tpu.memory_space<vmem>>
    tpu.wait_dma2 semaphore(%arg10 : memref<!tpu.dma_semaphore, #tpu.memory_space<semaphore_mem>>) src(%dma_wait3A_367 : memref<256xf32, #tpu.memory_space<vmem>>) dst(%dma_wait3A_365 : memref<256xf32, #tpu.memory_space<hbm>>)
    %dma_wait3A_368 = arith.constant 256 : i32
    %dma_wait3A_369 = tpu.memref_slice %arg7[%dma_wait3A_368] : memref<1024xf32, #tpu.memory_space<vmem>> -> memref<256xf32, #tpu.memory_space<vmem>>
    %dma_wait3A_370 = tpu.memref_slice %arg4[%add3A_179] : memref<16384xf32, #tpu.memory_space<hbm>> -> memref<256xf32, #tpu.memory_space<hbm>>
    %dma_wait3A_371 = tpu.memref_slice %arg4[%add3A_179] : memref<16384xf32, #tpu.memory_space<hbm>> -> memref<256xf32, #tpu.memory_space<hbm>>
    %dma_wait3A_372 = arith.constant 256 : i32
    %dma_wait3A_373 = tpu.memref_slice %arg7[%dma_wait3A_372] : memref<1024xf32, #tpu.memory_space<vmem>> -> memref<256xf32, #tpu.memory_space<vmem>>
    tpu.wait_dma2 semaphore(%arg10 : memref<!tpu.dma_semaphore, #tpu.memory_space<semaphore_mem>>) src(%dma_wait3A_373 : memref<256xf32, #tpu.memory_space<vmem>>) dst(%dma_wait3A_371 : memref<256xf32, #tpu.memory_space<hbm>>)
    %dma_wait3A_374 = arith.constant 512 : i32
    %dma_wait3A_375 = tpu.memref_slice %arg7[%dma_wait3A_374] : memref<1024xf32, #tpu.memory_space<vmem>> -> memref<256xf32, #tpu.memory_space<vmem>>
    %dma_wait3A_376 = tpu.memref_slice %arg4[%add3A_267] : memref<16384xf32, #tpu.memory_space<hbm>> -> memref<256xf32, #tpu.memory_space<hbm>>
    %dma_wait3A_377 = tpu.memref_slice %arg4[%add3A_267] : memref<16384xf32, #tpu.memory_space<hbm>> -> memref<256xf32, #tpu.memory_space<hbm>>
    %dma_wait3A_378 = arith.constant 512 : i32
    %dma_wait3A_379 = tpu.memref_slice %arg7[%dma_wait3A_378] : memref<1024xf32, #tpu.memory_space<vmem>> -> memref<256xf32, #tpu.memory_space<vmem>>
    tpu.wait_dma2 semaphore(%arg10 : memref<!tpu.dma_semaphore, #tpu.memory_space<semaphore_mem>>) src(%dma_wait3A_379 : memref<256xf32, #tpu.memory_space<vmem>>) dst(%dma_wait3A_377 : memref<256xf32, #tpu.memory_space<hbm>>)
    %dma_wait3A_380 = arith.constant 768 : i32
    %dma_wait3A_381 = tpu.memref_slice %arg7[%dma_wait3A_380] : memref<1024xf32, #tpu.memory_space<vmem>> -> memref<256xf32, #tpu.memory_space<vmem>>
    %dma_wait3A_382 = tpu.memref_slice %arg4[%add3A_355] : memref<16384xf32, #tpu.memory_space<hbm>> -> memref<256xf32, #tpu.memory_space<hbm>>
    %dma_wait3A_383 = tpu.memref_slice %arg4[%add3A_355] : memref<16384xf32, #tpu.memory_space<hbm>> -> memref<256xf32, #tpu.memory_space<hbm>>
    %dma_wait3A_384 = arith.constant 768 : i32
    %dma_wait3A_385 = tpu.memref_slice %arg7[%dma_wait3A_384] : memref<1024xf32, #tpu.memory_space<vmem>> -> memref<256xf32, #tpu.memory_space<vmem>>
    tpu.wait_dma2 semaphore(%arg10 : memref<!tpu.dma_semaphore, #tpu.memory_space<semaphore_mem>>) src(%dma_wait3A_385 : memref<256xf32, #tpu.memory_space<vmem>>) dst(%dma_wait3A_383 : memref<256xf32, #tpu.memory_space<hbm>>)
    return
  }
}

</mosaic_0001>

<sc_bundles>
// kernel: kernel.3.cloned.1.call-start
scs
__scs_entry_jumppad:
0x0: {  	(pc) =	sbr.rel $0x88, $3  }
0x1: {  	(tag) =	ssettag $0x0;
	lr =	simm.s32 $0x1  }
0x2: {  	[smem:$0x3F9F] =	sst lr;
	_ =	strace $0xD0000000  }
0x3: {  	_ = 	snop  }
0x4: {  	_ = 	snop  }
0x5: {  	_ = 	snop  }
0x6: {  	_ = 	snop  }
0x7: {  	_ = 	snop  }
__scs_overlays_trampoline_lowered:
0x8: {  	[smem:$0x3FAE] =	sst s0  }
0x9: {  	[smem:$0x3FAF] =	sst s1  }
0xa: {  	[smem:$0x3FB0] =	sst s2  }
0xb: {  	[smem:$0x3FB1] =	sst s3  }
0xc: {  	[smem:$0x3FB2] =	sst s4  }
0xd: {  	[smem:$0x3FB3] =	sst s5  }
0xe: {  	[smem:$0x3FB4] =	sst s6  }
0xf: {  	[smem:$0x3FB5] =	sst s7  }
0x10: {  	[smem:$0x3FB6] =	sst s8  }
0x11: {  	[smem:$0x3FB7] =	sst s9;
	s0 =	simm.s32 @!p0 $0x0  }
0x12: {  	s1 =	sld [smem:$0x3F9D];
	s0 =	simm.s32 @p0 $0x1  }
0x13: {  	[smem:$0x3FB8] =	sst s0;
	s0 =	simm.s32 @!p1 $0x0  }
0x14: {  	s2 =	sld [smem:$0x3F9C];
	s0 =	simm.s32 @p1 $0x1  }
0x15: {  	[smem:$0x3FB9] =	sst s0;
	s0 =	simm.s32 @!p2 $0x0  }
0x16: {  	s3 =	sld [smem:$0x3FDB];
	s0 =	simm.s32 @p2 $0x1  }
0x17: {  	s4 =	simm.s32 $0x1BF5;
	[smem:$0x3FBB] =	sst s0  }
0x18: {  	s0 =	sld [smem:$0x3F9E];
	_ =	swait.ge [sflag:s4], $0x0  }
0x19: {  	s7 =	sld [smem:$0x3F9F]  }
0x1a: {  	s8 =	sadd.s32 $0xFFFFE003, lr  }
0x1b: {  	s9 =	sadd.s32 $0xFFFFFEF7, lr;
	s5 =	simm.s32 $0xFFFFFFFF;
	p2 =	slt.u32 s8, $0xFFFFF086  }
0x1c: {  	p1 =	slt.u32 s9, $0xF7A;
	s5 =	simm.s32 @!p2 $0x0  }
0x1d: {  	s5 =	simm.s32 @p1 $0x1;
	p0 =	seq.s32 s7, s2  }
0x1e: {  	s7 =	smul.u32 @!p0 $0xF7A, s2;
	p2 =	seq.s32 @!p0 s5, $0x0  }
0x1f: {  	s9 =	smul.u32 $0xF7A, s1;
	s8 =	simm.s32 @!p0 $0x1BF5;
	p2 =	por !p2, p0  }
0x20: {  	[sflag:s8] =	ssyncset.s32 @!p0 $0xFFFFF086;
	s6 =	sadd.s32 @!p0 s3, s7;
	s7 =	simm.s32 @!p0 $0x108  }
0x21: {  	s3 =	sadd.s32 s3, s9;
	s6 =	sadd.s32 @!p0 $0x88, s6;
	s7 =	simm.s32 @p2 $0x1082  }
0x22: {  	[simem:s7], [sflag:s8] =	dma.local @!p0 [hbm:s6], $0xF7A  }
0x23: {  	s9 =	sor.u32 $0xD0000000, s2;
	s6 =	simm.s32 $0x108;
	_ =	swait.ge @!p0 [sflag:s8], $0x0  }
0x24: {  	s3 =	sadd.s32 $0x88, s3;
	s6 =	simm.s32 @!p1 $0x1082;
	[sflag:s4] =	ssyncset.s32 $0xFFFFF086  }
0x25: {  	[simem:s6], [sflag:s4] =	dma.local [hbm:s3], $0xF7A  }
0x26: {  	[smem:$0x3F9F] =	sst s1;
	(tag) =	ssettag s2;
	_ =	strace s9  }
0x27: {  	s1 =	sld [smem:$0x3FAF]  }
0x28: {  	s2 =	sld [smem:$0x3FB0]  }
0x29: {  	s4 =	sld [smem:$0x3FB2]  }
0x2a: {  	p0 =	seq.s32 s5, $0x0;
	s5 =	sld [smem:$0x3FB3]  }
0x2b: {  	s6 =	sld [smem:$0x3FB4]  }
0x2c: {  	s7 =	sld [smem:$0x3FB5]  }
0x2d: {  	s3 =	simm.s32 $0x108;
	s8 =	sld [smem:$0x3FB6]  }
0x2e: {  	s3 =	simm.s32 @!p0 $0x1082;
	s9 =	sld [smem:$0x3FB7]  }
0x2f: {  	lr =	sadd.s32 s0, s3;
	s0 =	sld [smem:$0x3FAE]  }
0x30: {  	s3 =	sld [smem:$0x3FB1]  }
0x31: {  	[smem:$0x3FBA] =	sst s10  }
0x32: {  	s10 =	sld [smem:$0x3FB8];
	_ =	sdelay $0x3  }
0x33: {  	p0 =	seq.s32 s10, $0x1;
	s10 =	sld [smem:$0x3FBA];
	_ =	sdelay $0x3  }
0x34: {  	[smem:$0x3FBA] =	sst s10  }
0x35: {  	s10 =	sld [smem:$0x3FB9];
	_ =	sdelay $0x3  }
0x36: {  	p1 =	seq.s32 s10, $0x1;
	s10 =	sld [smem:$0x3FBA];
	_ =	sdelay $0x3  }
0x37: {  	[smem:$0x3FBA] =	sst s10  }
0x38: {  	s10 =	sld [smem:$0x3FBB]  }
0x39: {  	_ = 	snop;
	(pc) =	sbr.ind lr, $3  }
0x3a: {  	_ = 	snop  }
0x3b: {  	_ = 	snop  }
0x3c: {  	p2 =	seq.s32 s10, $0x1;
	s10 =	sld [smem:$0x3FBA]  }
0x3d: {  	_ =	shalt  }
0x3e: {  	_ =	shalt  }
0x3f: {  	_ =	shalt  }
0x40: {  	_ =	shalt  }
0x41: {  	_ =	shalt  }
0x42: {  	_ =	shalt  }
0x43: {  	_ =	shalt  }
0x44: {  	_ =	shalt  }
0x45: {  	_ =	shalt  }
0x46: {  	_ =	shalt  }
0x47: {  	_ =	shalt  }
0x48: {  	_ =	shalt  }
0x49: {  	_ =	shalt  }
0x4a: {  	_ =	shalt  }
0x4b: {  	_ =	shalt  }
0x4c: {  	_ =	shalt  }
0x4d: {  	_ =	shalt  }
0x4e: {  	_ =	shalt  }
0x4f: {  	_ =	shalt  }
0x50: {  	_ =	shalt  }
0x51: {  	_ =	shalt  }
0x52: {  	_ =	shalt  }
0x53: {  	_ =	shalt  }
0x54: {  	_ =	shalt  }
0x55: {  	_ =	shalt  }
0x56: {  	_ =	shalt  }
0x57: {  	_ =	shalt  }
0x58: {  	_ =	shalt  }
0x59: {  	_ =	shalt  }
0x5a: {  	_ =	shalt  }
0x5b: {  	_ =	shalt  }
0x5c: {  	_ =	shalt  }
0x5d: {  	_ =	shalt  }
0x5e: {  	_ =	shalt  }
0x5f: {  	_ =	shalt  }
0x60: {  	_ =	shalt  }
0x61: {  	_ =	shalt  }
0x62: {  	_ =	shalt  }
0x63: {  	_ =	shalt  }
0x64: {  	_ =	shalt  }
0x65: {  	_ =	shalt  }
0x66: {  	_ =	shalt  }
0x67: {  	_ =	shalt  }
0x68: {  	_ =	shalt  }
0x69: {  	_ =	shalt  }
0x6a: {  	_ =	shalt  }
0x6b: {  	_ =	shalt  }
0x6c: {  	_ =	shalt  }
0x6d: {  	_ =	shalt  }
0x6e: {  	_ =	shalt  }
0x6f: {  	_ =	shalt  }
0x70: {  	_ =	shalt  }
0x71: {  	_ =	shalt  }
0x72: {  	_ =	shalt  }
0x73: {  	_ =	shalt  }
0x74: {  	_ =	shalt  }
0x75: {  	_ =	shalt  }
0x76: {  	_ =	shalt  }
0x77: {  	_ =	shalt  }
0x78: {  	_ =	shalt  }
0x79: {  	_ =	shalt  }
0x7a: {  	_ =	shalt  }
0x7b: {  	_ =	shalt  }
0x7c: {  	_ =	shalt  }
0x7d: {  	_ =	shalt  }
0x7e: {  	_ =	shalt  }
0x7f: {  	_ =	shalt  }
0x80: {  	_ =	shalt  }
0x81: {  	_ =	shalt  }
0x82: {  	_ =	shalt  }
0x83: {  	_ =	shalt  }
0x84: {  	_ =	shalt  }
0x85: {  	_ =	shalt  }
0x86: {  	_ =	shalt  }
0x87: {  	_ =	shalt  }
.Lfunc_end0:
.L_simem_size_0:
called_computation_lowered:
.L_overlay_start_0:
0x88: {  	s0 =	sld [smem:$0x3FD9]  }
0x89: {  	s1 =	sld [smem:$0x3FFE];
	_ =	sdelay $0x3  }
0x8a: {  	s0 =	sadd.s32 s1, s0  }
0x8b: {  	[smem:$0x3FC6] =	sst s0  }
0x8c: {  	_ = 	snop  }
0x8d: {  	s0 =	sld [smem:$0x3FC9]  }
0x8e: {  	s17 =	sld [smem:$0x3FC8]  }
0x8f: {  	s2 =	sld [smem:$0x3FD0];
	(tm) =	ssettm $0x1  }
0x90: {  	s3 =	sld [smem:$0x3FFB];
	_ =	sdelay $0x3  }
0x91: {  	_ =	strace s3  }
0x92: {  	s3 =	sld [smem:$0x3FFC];
	_ =	sdelay $0x3  }
0x93: {  	_ =	strace s3  }
0x94: {  	s3 =	sld [smem:$0x3FFD];
	_ =	sdelay $0x3  }
0x95: {  	_ =	strace s3  }
0x96: {  	_ =	strace $0x8FFFFFFF  }
0x97: {  	s18 =	sld [smem:$0x3FDB];
	_ =	sdelay $0x1  }
0x98: {  	s4 =	simm.s32 $_scs_section_size  }
0x99: {  	s5 =	simm.s32 $_size__tile_overlayer_lowered;
	s6 =	simm.s32 $_tile_overlayer_lowered  }
0x9a: {  	s21 =	simm.s32 $0x1BFF;
	s20 =	sshll.u32 s6, $0x1;
	s3 =	sadd.s32 s4, s18  }
0x9b: {  	s7 =	simm.s32 $0x0;
	s19 =	sshll.u32 s5, $0x1;
	s5 =	sadd.s32 s20, s3  }
0x9c: {  	[timem:s7], [sflag:s21] =	dma.local [hbm:s5], s19  }
0x9d: {  	_ =	swait.ge [sflag:s21], s19  }
0x9e: {  	s4 =	ssub.s32 $0x0, s19;
	[sflag:s21] =	ssyncset.done $0x0  }
0x9f: {  	[sflag:s21] =	ssyncadd.s32 s4;
	_ =	sdelay $0x1  }
0xa0: {  	s22 =	simm.s32 $0x1B8B  }
0xa1: {  	_ =	swait.ge [sflag:s22], $0x1  }
0xa2: {  	[sflag:s22] =	ssyncset.done $0x0  }
0xa3: {  	s23 =	simm.s32 $0x1B8E;
	[sflag:s22] =	ssyncadd.s32 $0xFFFFFFFF  }
0xa4: {  	s24 =	simm.s32 $execute0_lowered;
	[smem:$0x3FD2] =	sst s23  }
0xa5: {  	s4 =	sshll.u32 s24, $0x1;
	_ =	strace $0x80000046;
	[dreg:$0x1] =	wrdreg $0xFFFFFFFF  }
0xa6: {  	s25 =	simm.s32 $_size_execute0_lowered;
	s3 =	sadd.s32 s3, s4;
	[dreg:$0x0] =	wrdreg $0x0  }
0xa7: {  	s4 =	sshll.u32 s25, $0x1;
	[dreg:$0x2] =	wrdreg s3  }
0xa8: {  	[dreg:$0x3] =	wrdreg s4  }
0xa9: {  	[dreg:$0x4] =	wrdreg $0xC0  }
0xaa: {  	_ =	task [dreg:s7], $0x5FFFF  }
0xab: {  	[dreg:$0x1] =	wrdreg $0xFFFFFFFF  }
0xac: {  	[dreg:$0x0] =	wrdreg $0x60  }
0xad: {  	[dreg:$0x2] =	wrdreg s17  }
0xae: {  	[dreg:$0x3] =	wrdreg s0  }
0xaf: {  	[dreg:$0x4] =	wrdreg s2  }
0xb0: {  	[dreg:$0x5] =	wrdreg $0x9  }
0xb1: {  	_ =	task.clear_ibuf [dreg:s7], $0x6FFFF;
	_ =	strace $0x90000046  }
0xb2: {  	s26 =	simm.s32 $0x9;
	_ =	strace $0x80000048  }
0xb3: {  	_ =	swait.ge [sflag:s26], $0x1  }
0xb4: {  	[sflag:s26] =	ssyncadd.s32 $0xFFFFFFFF  }
0xb5: {  	_ =	strace $0x90000048  }
0xb6: {  	_ =	sfence  }
0xb7: {  	s28 =	sld [smem:$0x0];
	_ =	sdelay $0x1  }
0xb8: {  	s29 =	srdreg.scid  }
0xb9: {  	s30 =	sshll.u32 s29, $0xD;
	s31 =	sshrl.u32 s29, $0x2  }
0xba: {  	s1 =	sand.u32 $0x1, s29;
	s2 =	sand.u32 $0x4000, s30;
	s0 =	sadd.s32 s31, s28  }
0xbb: {  	s1 =	sor.u32 s2, s1;
	s0 =	sshll.u32 s0, $0x11  }
0xbc: {  	s0 =	sor.u32 s0, s1  }
0xbd: {  	s0 =	sadd.s32 $0x8F2B, s0  }
0xbe: {  	[sflag:s0] =	ssyncadd.remote.s32 $0x1  }
0xbf: {  	_ =	sfence.sel $0xFFFF  }
0xc0: {  	[dreg:$0x0] =	wrdreg $0xFFFFFFFF;
	(pc) =	sbr.abs _section_cstart, $3  }
0xc1: {  	[dreg:$0x1] =	wrdreg $0xFFFFFFFF  }
0xc2: {  	_ =	task.clear_ibuf [dreg:s7], $0x2FFFF;
	_ =	strace $0x9FFFFFFF  }
0xc3: {  	(tm) =	ssettm $0x7FFFFFFF  }
tec
execute0_lowered:
.L_overlay_start_1:
0x0: {  	(tag) =	ssettag $0x1  }
0x1: {  	s4 =	rddreg [dreg:$0x0]  }
0x2: {  	s5 =	rddreg [dreg:$0x1]  }
0x3: {  	s3 =	rddreg [dreg:$0x2];
	s2 =	simm.s32 $0x0  }
0x4: {  	s1 =	stileid.u32;
	[smem:$0x7FF] =	sst s2  }
0x5: {  	s0 =	rddreg [dreg:$0x3];
	s6 =	sshll.u32 s1, $0x7;
	_ =	strace $0x80000047  }
0x6: {  	[tilespmem:s2], [sflag:$0x1] =	stream.linear.gather [hbm4b:s4+s2], $0x5, $0x38;
	[tilespmem:$0x880] =	vst v63  }
0x7: {  	s21 =	simm.s32 $0x80;
	s22 =	simm.s32 $0x1;
	s20 =	sadd.s32 s5, s6  }
0x8: {  	[tilespmem:s21], [sflag:$0x2] =	stream.linear.gather [hbm4b:s20+s2], $0x400, $0x38;
	[tilespmem:$0x880] =	vst v63  }
0x9: {  	_ =	swait.ge [sflag:s22], $0x5  }
0xa: {  	[sflag:s22] =	ssyncset.done $0x0  }
0xb: {  	s23 =	simm.s32 $0x2;
	[sflag:s22] =	ssyncadd.s32 $0xFFFFFFFB  }
0xc: {  	_ =	swait.ge [sflag:s23], $0x400  }
0xd: {  	[sflag:s23] =	ssyncset.done $0x0  }
0xe: {  	[sflag:s23] =	ssyncadd.s32 $0xFFFFFC00  }
0xf: {  	v0 =	vld [tilespmem:$0x80];
	_ =	sdelay $0x5  }
0x10: {  	v1 =	vld [tilespmem:$0x90];
	_ =	sdelay $0x1  }
0x11: {  	v0 =	vld.idx.msk [tilespmem:v0+s2+$0x0], $0xffff;
	_ =	sdelay $0x3  }
0x12: {  	v2 =	vld [tilespmem:$0xA0]  }
0x13: {  	[tilespmem:$0x480] =	vst v0  }
0x14: {  	v0 =	vld.idx.msk [tilespmem:v1+s2+$0x0], $0xffff;
	_ =	sdelay $0x3  }
0x15: {  	v63 =	vld [tilespmem:$0xB0]  }
0x16: {  	[tilespmem:$0x490] =	vst v0  }
0x17: {  	v0 =	vld.idx.msk [tilespmem:v2+s2+$0x0], $0xffff;
	_ =	sdelay $0x3  }
0x18: {  	v4 =	vld [tilespmem:$0xC0]  }
0x19: {  	[tilespmem:$0x4A0] =	vst v0  }
0x1a: {  	v0 =	vld.idx.msk [tilespmem:v63+s2+$0x0], $0xffff;
	_ =	sdelay $0x3  }
0x1b: {  	v5 =	vld [tilespmem:$0xD0]  }
0x1c: {  	[tilespmem:$0x4B0] =	vst v0  }
0x1d: {  	v0 =	vld.idx.msk [tilespmem:v4+s2+$0x0], $0xffff;
	_ =	sdelay $0x3  }
0x1e: {  	v6 =	vld [tilespmem:$0xE0]  }
0x1f: {  	[tilespmem:$0x4C0] =	vst v0  }
0x20: {  	v0 =	vld.idx.msk [tilespmem:v5+s2+$0x0], $0xffff;
	_ =	sdelay $0x3  }
0x21: {  	v7 =	vld [tilespmem:$0xF0]  }
0x22: {  	[tilespmem:$0x4D0] =	vst v0  }
0x23: {  	v0 =	vld.idx.msk [tilespmem:v6+s2+$0x0], $0xffff;
	_ =	sdelay $0x3  }
0x24: {  	v8 =	vld [tilespmem:$0x100]  }
0x25: {  	[tilespmem:$0x4E0] =	vst v0  }
0x26: {  	v0 =	vld.idx.msk [tilespmem:v7+s2+$0x0], $0xffff;
	_ =	sdelay $0x3  }
0x27: {  	v9 =	vld [tilespmem:$0x110]  }
0x28: {  	[tilespmem:$0x4F0] =	vst v0  }
0x29: {  	v0 =	vld.idx.msk [tilespmem:v8+s2+$0x0], $0xffff;
	_ =	sdelay $0x3  }
0x2a: {  	v10 =	vld [tilespmem:$0x120]  }
0x2b: {  	[tilespmem:$0x500] =	vst v0  }
0x2c: {  	v0 =	vld.idx.msk [tilespmem:v9+s2+$0x0], $0xffff;
	_ =	sdelay $0x3  }
0x2d: {  	v11 =	vld [tilespmem:$0x130]  }
0x2e: {  	[tilespmem:$0x510] =	vst v0  }
0x2f: {  	v0 =	vld.idx.msk [tilespmem:v10+s2+$0x0], $0xffff;
	_ =	sdelay $0x3  }
0x30: {  	v12 =	vld [tilespmem:$0x140]  }
0x31: {  	[tilespmem:$0x520] =	vst v0  }
0x32: {  	v0 =	vld.idx.msk [tilespmem:v11+s2+$0x0], $0xffff;
	_ =	sdelay $0x3  }
0x33: {  	v13 =	vld [tilespmem:$0x150]  }
0x34: {  	[tilespmem:$0x530] =	vst v0  }
0x35: {  	v0 =	vld.idx.msk [tilespmem:v12+s2+$0x0], $0xffff;
	_ =	sdelay $0x3  }
0x36: {  	v14 =	vld [tilespmem:$0x160]  }
0x37: {  	[tilespmem:$0x540] =	vst v0  }
0x38: {  	v0 =	vld.idx.msk [tilespmem:v13+s2+$0x0], $0xffff;
	_ =	sdelay $0x3  }
0x39: {  	v15 =	vld [tilespmem:$0x170]  }
0x3a: {  	[tilespmem:$0x550] =	vst v0  }
0x3b: {  	v0 =	vld.idx.msk [tilespmem:v14+s2+$0x0], $0xffff;
	_ =	sdelay $0x4  }
0x3c: {  	[tilespmem:$0x560] =	vst v0  }
0x3d: {  	v0 =	vld.idx.msk [tilespmem:v15+s2+$0x0], $0xffff;
	_ =	sdelay $0x4  }
0x3e: {  	s24 =	simm.s32 $0x480;
	s3 =	sadd.s32 s3, s6;
	[tilespmem:$0x570] =	vst v0  }
0x3f: {  	[hbm4b:s3+s2] =	stream.linear.scatter [tilespmem:s24], [sflag:$0x3], $0x100, $0x38;
	[tilespmem:$0x880] =	vst v63  }
0x40: {  	v16 =	vld [tilespmem:$0x180];
	_ =	sdelay $0x5  }
0x41: {  	v17 =	vld [tilespmem:$0x190];
	_ =	sdelay $0x1  }
0x42: {  	v0 =	vld.idx.msk [tilespmem:v16+s2+$0x0], $0xffff;
	_ =	sdelay $0x3  }
0x43: {  	v18 =	vld [tilespmem:$0x1A0]  }
0x44: {  	[tilespmem:$0x580] =	vst v0  }
0x45: {  	v0 =	vld.idx.msk [tilespmem:v17+s2+$0x0], $0xffff;
	_ =	sdelay $0x3  }
0x46: {  	v19 =	vld [tilespmem:$0x1B0]  }
0x47: {  	[tilespmem:$0x590] =	vst v0  }
0x48: {  	v0 =	vld.idx.msk [tilespmem:v18+s2+$0x0], $0xffff;
	_ =	sdelay $0x3  }
0x49: {  	v20 =	vld [tilespmem:$0x1C0]  }
0x4a: {  	[tilespmem:$0x5A0] =	vst v0  }
0x4b: {  	v0 =	vld.idx.msk [tilespmem:v19+s2+$0x0], $0xffff;
	_ =	sdelay $0x3  }
0x4c: {  	v21 =	vld [tilespmem:$0x1D0]  }
0x4d: {  	[tilespmem:$0x5B0] =	vst v0  }
0x4e: {  	v0 =	vld.idx.msk [tilespmem:v20+s2+$0x0], $0xffff;
	_ =	sdelay $0x3  }
0x4f: {  	v22 =	vld [tilespmem:$0x1E0]  }
0x50: {  	[tilespmem:$0x5C0] =	vst v0  }
0x51: {  	v0 =	vld.idx.msk [tilespmem:v21+s2+$0x0], $0xffff;
	_ =	sdelay $0x3  }
0x52: {  	v23 =	vld [tilespmem:$0x1F0]  }
0x53: {  	[tilespmem:$0x5D0] =	vst v0  }
0x54: {  	v0 =	vld.idx.msk [tilespmem:v22+s2+$0x0], $0xffff;
	_ =	sdelay $0x3  }
0x55: {  	v24 =	vld [tilespmem:$0x200]  }
0x56: {  	[tilespmem:$0x5E0] =	vst v0  }
0x57: {  	v0 =	vld.idx.msk [tilespmem:v23+s2+$0x0], $0xffff;
	_ =	sdelay $0x3  }
0x58: {  	v25 =	vld [tilespmem:$0x210]  }
0x59: {  	[tilespmem:$0x5F0] =	vst v0  }
0x5a: {  	v0 =	vld.idx.msk [tilespmem:v24+s2+$0x0], $0xffff;
	_ =	sdelay $0x3  }
0x5b: {  	v26 =	vld [tilespmem:$0x220]  }
0x5c: {  	[tilespmem:$0x600] =	vst v0  }
0x5d: {  	v0 =	vld.idx.msk [tilespmem:v25+s2+$0x0], $0xffff;
	_ =	sdelay $0x3  }
0x5e: {  	v27 =	vld [tilespmem:$0x230]  }
0x5f: {  	[tilespmem:$0x610] =	vst v0  }
0x60: {  	v0 =	vld.idx.msk [tilespmem:v26+s2+$0x0], $0xffff;
	_ =	sdelay $0x3  }
0x61: {  	v28 =	vld [tilespmem:$0x240]  }
0x62: {  	[tilespmem:$0x620] =	vst v0  }
0x63: {  	v0 =	vld.idx.msk [tilespmem:v27+s2+$0x0], $0xffff;
	_ =	sdelay $0x3  }
0x64: {  	v29 =	vld [tilespmem:$0x250]  }
0x65: {  	[tilespmem:$0x630] =	vst v0  }
0x66: {  	v0 =	vld.idx.msk [tilespmem:v28+s2+$0x0], $0xffff;
	_ =	sdelay $0x3  }
0x67: {  	v30 =	vld [tilespmem:$0x260]  }
0x68: {  	[tilespmem:$0x640] =	vst v0  }
0x69: {  	v0 =	vld.idx.msk [tilespmem:v29+s2+$0x0], $0xffff;
	_ =	sdelay $0x3  }
0x6a: {  	v31 =	vld [tilespmem:$0x270]  }
0x6b: {  	[tilespmem:$0x650] =	vst v0  }
0x6c: {  	v0 =	vld.idx.msk [tilespmem:v30+s2+$0x0], $0xffff;
	_ =	sdelay $0x4  }
0x6d: {  	[tilespmem:$0x660] =	vst v0  }
0x6e: {  	v0 =	vld.idx.msk [tilespmem:v31+s2+$0x0], $0xffff;
	_ =	sdelay $0x4  }
0x6f: {  	s26 =	simm.s32 $0x580;
	s25 =	sadd.s32 $0x20, s3;
	[tilespmem:$0x670] =	vst v0  }
0x70: {  	[hbm4b:s25+s2] =	stream.linear.scatter [tilespmem:s26], [sflag:$0x3], $0x100, $0x38;
	[tilespmem:$0x880] =	vst v63  }
0x71: {  	v32 =	vld [tilespmem:$0x280];
	_ =	sdelay $0x5  }
0x72: {  	v33 =	vld [tilespmem:$0x290];
	_ =	sdelay $0x1  }
0x73: {  	v0 =	vld.idx.msk [tilespmem:v32+s2+$0x0], $0xffff;
	_ =	sdelay $0x3  }
0x74: {  	v34 =	vld [tilespmem:$0x2A0]  }
0x75: {  	[tilespmem:$0x680] =	vst v0  }
0x76: {  	v0 =	vld.idx.msk [tilespmem:v33+s2+$0x0], $0xffff;
	_ =	sdelay $0x3  }
0x77: {  	v35 =	vld [tilespmem:$0x2B0]  }
0x78: {  	[tilespmem:$0x690] =	vst v0  }
0x79: {  	v0 =	vld.idx.msk [tilespmem:v34+s2+$0x0], $0xffff;
	_ =	sdelay $0x3  }
0x7a: {  	v36 =	vld [tilespmem:$0x2C0]  }
0x7b: {  	[tilespmem:$0x6A0] =	vst v0  }
0x7c: {  	v0 =	vld.idx.msk [tilespmem:v35+s2+$0x0], $0xffff;
	_ =	sdelay $0x3  }
0x7d: {  	v37 =	vld [tilespmem:$0x2D0]  }
0x7e: {  	[tilespmem:$0x6B0] =	vst v0  }
0x7f: {  	v0 =	vld.idx.msk [tilespmem:v36+s2+$0x0], $0xffff;
	_ =	sdelay $0x3  }
0x80: {  	v38 =	vld [tilespmem:$0x2E0]  }
0x81: {  	[tilespmem:$0x6C0] =	vst v0  }
0x82: {  	v0 =	vld.idx.msk [tilespmem:v37+s2+$0x0], $0xffff;
	_ =	sdelay $0x3  }
0x83: {  	v39 =	vld [tilespmem:$0x2F0]  }
0x84: {  	[tilespmem:$0x6D0] =	vst v0  }
0x85: {  	v0 =	vld.idx.msk [tilespmem:v38+s2+$0x0], $0xffff;
	_ =	sdelay $0x3  }
0x86: {  	v40 =	vld [tilespmem:$0x300]  }
0x87: {  	[tilespmem:$0x6E0] =	vst v0  }
0x88: {  	v0 =	vld.idx.msk [tilespmem:v39+s2+$0x0], $0xffff;
	_ =	sdelay $0x3  }
0x89: {  	v41 =	vld [tilespmem:$0x310]  }
0x8a: {  	[tilespmem:$0x6F0] =	vst v0  }
0x8b: {  	v0 =	vld.idx.msk [tilespmem:v40+s2+$0x0], $0xffff;
	_ =	sdelay $0x3  }
0x8c: {  	v42 =	vld [tilespmem:$0x320]  }
0x8d: {  	[tilespmem:$0x700] =	vst v0  }
0x8e: {  	v0 =	vld.idx.msk [tilespmem:v41+s2+$0x0], $0xffff;
	_ =	sdelay $0x3  }
0x8f: {  	v43 =	vld [tilespmem:$0x330]  }
0x90: {  	[tilespmem:$0x710] =	vst v0  }
0x91: {  	v0 =	vld.idx.msk [tilespmem:v42+s2+$0x0], $0xffff;
	_ =	sdelay $0x3  }
0x92: {  	v44 =	vld [tilespmem:$0x340]  }
0x93: {  	[tilespmem:$0x720] =	vst v0  }
0x94: {  	v0 =	vld.idx.msk [tilespmem:v43+s2+$0x0], $0xffff;
	_ =	sdelay $0x3  }
0x95: {  	v45 =	vld [tilespmem:$0x350]  }
0x96: {  	[tilespmem:$0x730] =	vst v0  }
0x97: {  	v0 =	vld.idx.msk [tilespmem:v44+s2+$0x0], $0xffff;
	_ =	sdelay $0x3  }
0x98: {  	v46 =	vld [tilespmem:$0x360]  }
0x99: {  	[tilespmem:$0x740] =	vst v0  }
0x9a: {  	v0 =	vld.idx.msk [tilespmem:v45+s2+$0x0], $0xffff;
	_ =	sdelay $0x3  }
0x9b: {  	v47 =	vld [tilespmem:$0x370]  }
0x9c: {  	[tilespmem:$0x750] =	vst v0  }
0x9d: {  	v0 =	vld.idx.msk [tilespmem:v46+s2+$0x0], $0xffff;
	_ =	sdelay $0x4  }
0x9e: {  	[tilespmem:$0x760] =	vst v0  }
0x9f: {  	v0 =	vld.idx.msk [tilespmem:v47+s2+$0x0], $0xffff;
	_ =	sdelay $0x4  }
0xa0: {  	s29 =	simm.s32 $0x680;
	s28 =	sadd.s32 $0x40, s3;
	[tilespmem:$0x770] =	vst v0  }
0xa1: {  	[hbm4b:s28+s2] =	stream.linear.scatter [tilespmem:s29], [sflag:$0x3], $0x100, $0x38;
	[tilespmem:$0x880] =	vst v63  }
0xa2: {  	v48 =	vld [tilespmem:$0x380];
	_ =	sdelay $0x5  }
0xa3: {  	v49 =	vld [tilespmem:$0x390];
	_ =	sdelay $0x1  }
0xa4: {  	v0 =	vld.idx.msk [tilespmem:v48+s2+$0x0], $0xffff;
	_ =	sdelay $0x3  }
0xa5: {  	v50 =	vld [tilespmem:$0x3A0]  }
0xa6: {  	[tilespmem:$0x780] =	vst v0  }
0xa7: {  	v0 =	vld.idx.msk [tilespmem:v49+s2+$0x0], $0xffff;
	_ =	sdelay $0x3  }
0xa8: {  	v51 =	vld [tilespmem:$0x3B0]  }
0xa9: {  	[tilespmem:$0x790] =	vst v0  }
0xaa: {  	v0 =	vld.idx.msk [tilespmem:v50+s2+$0x0], $0xffff;
	_ =	sdelay $0x3  }
0xab: {  	v52 =	vld [tilespmem:$0x3C0]  }
0xac: {  	[tilespmem:$0x7A0] =	vst v0  }
0xad: {  	v0 =	vld.idx.msk [tilespmem:v51+s2+$0x0], $0xffff;
	_ =	sdelay $0x3  }
0xae: {  	v53 =	vld [tilespmem:$0x3D0]  }
0xaf: {  	[tilespmem:$0x7B0] =	vst v0  }
0xb0: {  	v0 =	vld.idx.msk [tilespmem:v52+s2+$0x0], $0xffff;
	_ =	sdelay $0x3  }
0xb1: {  	v54 =	vld [tilespmem:$0x3E0]  }
0xb2: {  	[tilespmem:$0x7C0] =	vst v0  }
0xb3: {  	v0 =	vld.idx.msk [tilespmem:v53+s2+$0x0], $0xffff;
	_ =	sdelay $0x3  }
0xb4: {  	v55 =	vld [tilespmem:$0x3F0]  }
0xb5: {  	[tilespmem:$0x7D0] =	vst v0  }
0xb6: {  	v0 =	vld.idx.msk [tilespmem:v54+s2+$0x0], $0xffff;
	_ =	sdelay $0x3  }
0xb7: {  	v56 =	vld [tilespmem:$0x400]  }
0xb8: {  	[tilespmem:$0x7E0] =	vst v0  }
0xb9: {  	v0 =	vld.idx.msk [tilespmem:v55+s2+$0x0], $0xffff;
	_ =	sdelay $0x3  }
0xba: {  	v57 =	vld [tilespmem:$0x410]  }
0xbb: {  	[tilespmem:$0x7F0] =	vst v0  }
0xbc: {  	v0 =	vld.idx.msk [tilespmem:v56+s2+$0x0], $0xffff;
	_ =	sdelay $0x3  }
0xbd: {  	v58 =	vld [tilespmem:$0x420]  }
0xbe: {  	[tilespmem:$0x800] =	vst v0  }
0xbf: {  	v0 =	vld.idx.msk [tilespmem:v57+s2+$0x0], $0xffff;
	_ =	sdelay $0x3  }
0xc0: {  	v59 =	vld [tilespmem:$0x430]  }
0xc1: {  	[tilespmem:$0x810] =	vst v0  }
0xc2: {  	v0 =	vld.idx.msk [tilespmem:v58+s2+$0x0], $0xffff;
	_ =	sdelay $0x3  }
0xc3: {  	v60 =	vld [tilespmem:$0x440]  }
0xc4: {  	[tilespmem:$0x820] =	vst v0  }
0xc5: {  	v0 =	vld.idx.msk [tilespmem:v59+s2+$0x0], $0xffff;
	_ =	sdelay $0x3  }
0xc6: {  	v61 =	vld [tilespmem:$0x450]  }
0xc7: {  	[tilespmem:$0x830] =	vst v0  }
0xc8: {  	v0 =	vld.idx.msk [tilespmem:v60+s2+$0x0], $0xffff;
	_ =	sdelay $0x3  }
0xc9: {  	v62 =	vld [tilespmem:$0x460]  }
0xca: {  	[tilespmem:$0x840] =	vst v0  }
0xcb: {  	v0 =	vld.idx.msk [tilespmem:v61+s2+$0x0], $0xffff;
	_ =	sdelay $0x3  }
0xcc: {  	v63 =	vld [tilespmem:$0x470]  }
0xcd: {  	[tilespmem:$0x850] =	vst v0  }
0xce: {  	v0 =	vld.idx.msk [tilespmem:v62+s2+$0x0], $0xffff;
	_ =	sdelay $0x4  }
0xcf: {  	[tilespmem:$0x860] =	vst v0  }
0xd0: {  	v0 =	vld.idx.msk [tilespmem:v63+s2+$0x0], $0xffff;
	_ =	sdelay $0x4  }
0xd1: {  	s30 =	simm.s32 $0x780;
	s31 =	simm.s32 $0x3;
	s3 =	sadd.s32 $0x60, s3;
	[tilespmem:$0x870] =	vst v0  }
0xd2: {  	[hbm4b:s3+s2] =	stream.linear.scatter [tilespmem:s30], [sflag:$0x3], $0x100, $0x38;
	[tilespmem:$0x880] =	vst v63  }
0xd3: {  	_ =	swait.ge [sflag:s31], $0x100  }
0xd4: {  	[sflag:s31] =	ssyncset.done $0x0  }
0xd5: {  	[sflag:s31] =	ssyncadd.s32 $0xFFFFFF00  }
0xd6: {  	_ =	swait.ge [sflag:s31], $0x100  }
0xd7: {  	[sflag:s31] =	ssyncset.done $0x0  }
0xd8: {  	[sflag:s31] =	ssyncadd.s32 $0xFFFFFF00  }
0xd9: {  	_ =	swait.ge [sflag:s31], $0x100  }
0xda: {  	[sflag:s31] =	ssyncset.done $0x0  }
0xdb: {  	[sflag:s31] =	ssyncadd.s32 $0xFFFFFF00  }
0xdc: {  	_ =	swait.ge [sflag:s31], $0x100  }
0xdd: {  	[sflag:s31] =	ssyncset.done $0x0  }
0xde: {  	[sflag:s31] =	ssyncadd.s32 $0xFFFFFF00  }
0xdf: {  	_ =	sfence.sel $0x180000  }
0xe0: {  	[bflag:$0x0] =	sbarrier.arrive $0xFFFF  }
0xe1: {  	p0 =	sne.s32 s1, $0x0;
	_ =	strace $0x90000047  }
0xe2: {  	s0 =	sadd.s32 @!p0 $0x100000, s0;
	[bflag:$0x2] =	sbarrier.arrive $0xFFFF  }
0xe3: {  	[sflag:s0] =	ssyncadd.tile.s32 @!p0 $0x1;
	_ =	shalt  }
.Lfunc_end2:
_tile_overlayer_lowered:
.L_overlay_start_2:
0xe4: {  	(tag) =	ssettag $0x2  }
0xe5: {  	s0 =	rddreg [dreg:$0x0];
	s2 =	stileid.u32  }
0xe6: {  	s1 =	rddreg [dreg:$0x1];
	p0 =	sne.s32 s2, $0x0  }
0xe7: {  	s3 =	rddreg [dreg:$0x2];
	[bflag:$0x3] =	sbarrier.arrive $0xFFFF;
	s2 =	simm.s32 @!p0 $0x1C04  }
0xe8: {  	[timem:s3], [sflag:s2] =	dma.local @!p0 [hbm:s0], s1  }
0xe9: {  	s0 =	simm.s32 @!p0 $0x4  }
0xea: {  	_ =	swait.ge @!p0 [sflag:s0], s1  }
0xeb: {  	s1 =	ssub.s32 @!p0 $0x0, s1;
	[sflag:s0] =	ssyncset.done @!p0 $0x0  }
0xec: {  	[sflag:s0] =	ssyncadd.s32 @!p0 s1  }
0xed: {  	[bflag:$0x3] =	sbarrier.arrive $0xFFFF  }
0xee: {  	_ =	shalt  }

</sc_bundles>
